<compile_context>
chip_gen: v7x
topology: tpu7x:2x2x1
jax: 0.10.2.dev20260603
libtpu: 0.0.44.dev20260713+nightly
codegen_flags: <defaults>
</compile_context>

<pallas_src>
import jax
import jax.numpy as jnp
from jax import lax
from jax.experimental import pallas as pl
from jax.experimental.pallas import tpu as pltpu
from jax.experimental.pallas import tpu_sc as plsc

N = 10000
E = 320000
H = 128
EMB = 128
NCLS = 5

NC = 2
NS = 16
NW = NC * NS

ROWS_PER_W = 320
NPAD = NW * ROWS_PER_W
G_CHUNK = 64
G_STEPS = ROWS_PER_W // G_CHUNK

E_CHUNK = 128
E_STEPS = 159
E_PER_TILE = E_STEPS * E_CHUNK
EPAD = NS * E_PER_TILE
NBUF = 3
JUNK_ROW = N
ACC_ROWS = N + 16
OUT_PER_TILE = 632
OUT_LAST = N - 15 * OUT_PER_TILE

TC_BLOCK = 2000
TC_GRID = N // TC_BLOCK


def _sc_mesh():
    return plsc.VectorSubcoreMesh(
        core_axis_name="c", subcore_axis_name="s", num_cores=NC, num_subcores=NS
    )


def _emb_gather(feats_pad, emb):

    def body(feats_hbm, emb_hbm, x_hbm, fidx, frows, sem):
        cid = lax.axis_index("c")
        sid = lax.axis_index("s")
        base = (sid * NC + cid) * ROWS_PER_W

        @pl.loop(0, G_STEPS)
        def _(j):
            off = base + j * G_CHUNK
            pltpu.sync_copy(feats_hbm.at[pl.ds(off, G_CHUNK)], fidx)
            pltpu.async_copy(emb_hbm.at[fidx], frows, sem).wait()
            pltpu.sync_copy(frows, x_hbm.at[pl.ds(off, G_CHUNK)])

    return pl.kernel(
        body,
        out_type=jax.ShapeDtypeStruct((NPAD, EMB), jnp.float32),
        mesh=_sc_mesh(),
        scratch_types=[
            pltpu.VMEM((G_CHUNK,), jnp.int32),
            pltpu.VMEM((G_CHUNK, EMB), jnp.float32),
            pltpu.SemaphoreType.DMA,
        ],
    )(feats_pad, emb)


def _node_round1(x, W_iou, b_iou, U_f_W, U_f_b2):

    def body(x_ref, wiou_ref, biou_ref, ufw_ref, ufb_ref, out_ref):
        iou = (
            jnp.dot(x_ref[...], wiou_ref[...], preferred_element_type=jnp.float32)
            + biou_ref[...]
        )
        i_g = jax.nn.sigmoid(iou[:, :H])
        o_g = jax.nn.sigmoid(iou[:, H : 2 * H])
        u_g = jnp.tanh(iou[:, 2 * H :])
        c1 = i_g * u_g
        h1 = o_g * jnp.tanh(c1)
        f1 = jax.nn.sigmoid(
            jnp.dot(h1, ufw_ref[...], preferred_element_type=jnp.float32)
            + ufb_ref[...]
        )
        out_ref[0] = h1
        out_ref[1] = f1 * c1

    return pl.pallas_call(
        body,
        grid=(TC_GRID,),
        in_specs=[
            pl.BlockSpec((TC_BLOCK, EMB), lambda i: (i, 0)),
            pl.BlockSpec((EMB, 3 * H), lambda i: (0, 0)),
            pl.BlockSpec((1, 3 * H), lambda i: (0, 0)),
            pl.BlockSpec((H, H), lambda i: (0, 0)),
            pl.BlockSpec((1, H), lambda i: (0, 0)),
        ],
        out_specs=pl.BlockSpec((2, TC_BLOCK, H), lambda i: (0, i, 0)),
        out_shape=jax.ShapeDtypeStruct((2, N, H), jnp.float32),
    )(x, W_iou, b_iou, U_f_W, U_f_b2)


def _edge_reduce(nodes_flat, srcs2, dst_pad):

    def body(nodes_hbm, src_hbm, dst_hbm, out_hbm, sidx, didx, rows, acc,
             gsem0, gsem1, gsem2, ssem, isem0, isem1, isem2):
        cid = lax.axis_index("c")
        sid = lax.axis_index("s")
        gsem = (gsem0, gsem1, gsem2)
        isem = (isem0, isem1, isem2)
        s0 = cid * EPAD + sid * E_PER_TILE
        d0 = sid * E_PER_TILE

        @pl.loop(0, 128)
        def _(i):
            for k in range(H // 16):
                rows[0, i, pl.ds(k * 16, 16)] = jnp.zeros((16,), jnp.float32)

        zbase = sid * OUT_PER_TILE

        @pl.loop(0, 4)
        def _(k):
            pltpu.sync_copy(rows.at[0], acc.at[pl.ds(zbase + k * 128, 128)])

        @pl.when(sid < NS - 1)
        def _():
            pltpu.sync_copy(
                rows.at[0, pl.ds(0, OUT_PER_TILE - 512)],
                acc.at[pl.ds(zbase + 512, OUT_PER_TILE - 512)],
            )

        @pl.when(sid == NS - 1)
        def _():
            pltpu.sync_copy(
                rows.at[0, pl.ds(0, OUT_LAST - 512 + ACC_ROWS - N)],
                acc.at[pl.ds(zbase + 512, OUT_LAST - 512 + ACC_ROWS - N)],
            )

        plsc.subcore_barrier()

        def i_start(j, b):
            pltpu.make_async_copy(
                src_hbm.at[pl.ds(s0 + j * E_CHUNK, E_CHUNK)], sidx.at[b], isem[b]
            ).start()
            pltpu.make_async_copy(
                dst_hbm.at[pl.ds(d0 + j * E_CHUNK, E_CHUNK)], didx.at[b], isem[b]
            ).start()

        def i_wait(b):
            pltpu.make_async_copy(
                src_hbm.at[pl.ds(s0, E_CHUNK)], sidx.at[b], isem[b]
            ).wait()
            pltpu.make_async_copy(
                dst_hbm.at[pl.ds(d0, E_CHUNK)], didx.at[b], isem[b]
            ).wait()

        def g_desc(b):
            return pltpu.make_async_copy(
                nodes_hbm.at[sidx.at[b]], rows.at[b], gsem[b]
            )

        def s_desc(b):
            return pltpu.make_async_copy(rows.at[b], acc.at[didx.at[b]], ssem)

        for b in range(NBUF):
            i_start(b, b)
        i_wait(0)
        g_desc(0).start()
        i_wait(1)
        g_desc(1).start()

        @pl.loop(0, E_STEPS // NBUF - 1)
        def _(p):
            for b in range(NBUF):
                j = p * NBUF + b
                b2 = (b + 2) % NBUF
                i_wait(b2)
                g_desc(b2).start()
                g_desc(b).wait()
                s_desc(b).start(add=True)
                s_desc(b).wait()
                i_start(j + NBUF, b)

        i_wait(2)
        g_desc(2).start()
        g_desc(0).wait()
        s_desc(0).start(add=True)
        s_desc(0).wait()
        g_desc(1).wait()
        s_desc(1).start(add=True)
        s_desc(1).wait()
        g_desc(2).wait()
        s_desc(2).start(add=True)
        s_desc(2).wait()

        plsc.subcore_barrier()

        obase = cid * N + sid * OUT_PER_TILE

        @pl.when(sid < NS - 1)
        def _():
            pltpu.sync_copy(
                acc.at[pl.ds(zbase, OUT_PER_TILE)],
                out_hbm.at[pl.ds(obase, OUT_PER_TILE)],
            )

        @pl.when(sid == NS - 1)
        def _():
            pltpu.sync_copy(
                acc.at[pl.ds(zbase, OUT_LAST)],
                out_hbm.at[pl.ds(obase, OUT_LAST)],
            )

    return pl.kernel(
        body,
        out_type=jax.ShapeDtypeStruct((2 * N, H), jnp.float32),
        mesh=_sc_mesh(),
        scratch_types=[
            pltpu.VMEM((NBUF, E_CHUNK), jnp.int32),
            pltpu.VMEM((NBUF, E_CHUNK), jnp.int32),
            pltpu.VMEM((NBUF, E_CHUNK, H), jnp.float32),
            pltpu.VMEM_SHARED((ACC_ROWS, H), jnp.float32),
            pltpu.SemaphoreType.DMA,
            pltpu.SemaphoreType.DMA,
            pltpu.SemaphoreType.DMA,
            pltpu.SemaphoreType.DMA,
            pltpu.SemaphoreType.DMA,
            pltpu.SemaphoreType.DMA,
            pltpu.SemaphoreType.DMA,
        ],
    )(nodes_flat, srcs2, dst_pad)


def _node_round2(x, h_sum, c_agg, W_iou, U_iou, b_iou, lin_W, lin_b2):

    def body(x_ref, hs_ref, ca_ref, wiou_ref, uiou_ref, biou_ref, lw_ref,
             lb_ref, out_ref, acc_ref):
        i = pl.program_id(0)
        iou = (
            jnp.dot(x_ref[...], wiou_ref[...], preferred_element_type=jnp.float32)
            + jnp.dot(hs_ref[...], uiou_ref[...], preferred_element_type=jnp.float32)
            + biou_ref[...]
        )
        i_g = jax.nn.sigmoid(iou[:, :H])
        o_g = jax.nn.sigmoid(iou[:, H : 2 * H])
        u_g = jnp.tanh(iou[:, 2 * H :])
        c2 = i_g * u_g + ca_ref[...]
        h2 = o_g * jnp.tanh(c2)
        part = jnp.sum(h2, axis=0, keepdims=True)

        @pl.when(i == 0)
        def _():
            acc_ref[...] = jnp.zeros_like(acc_ref)

        acc_ref[...] += part

        @pl.when(i == TC_GRID - 1)
        def _():
            hg = acc_ref[...] * (1.0 / N)
            out_ref[...] = (
                jnp.dot(hg, lw_ref[...], preferred_element_type=jnp.float32)
                + lb_ref[...]
            )

    return pl.pallas_call(
        body,
        grid=(TC_GRID,),
        in_specs=[
            pl.BlockSpec((TC_BLOCK, EMB), lambda i: (i, 0)),
            pl.BlockSpec((TC_BLOCK, H), lambda i: (i, 0)),
            pl.BlockSpec((TC_BLOCK, H), lambda i: (i, 0)),
            pl.BlockSpec((EMB, 3 * H), lambda i: (0, 0)),
            pl.BlockSpec((H, 3 * H), lambda i: (0, 0)),
            pl.BlockSpec((1, 3 * H), lambda i: (0, 0)),
            pl.BlockSpec((H, NCLS), lambda i: (0, 0)),
            pl.BlockSpec((1, NCLS), lambda i: (0, 0)),
        ],
        out_specs=pl.BlockSpec((1, NCLS), lambda i: (0, 0)),
        out_shape=jax.ShapeDtypeStruct((1, NCLS), jnp.float32),
        scratch_shapes=[pltpu.VMEM((1, H), jnp.float32)],
    )(x, h_sum, c_agg, W_iou, U_iou, b_iou, lin_W, lin_b2)


def kernel(features, edge_index, emb, W_iou, U_iou, b_iou, U_f_W, U_f_b,
           lin_W, lin_b):
    feats_pad = jnp.concatenate(
        [features.astype(jnp.int32), jnp.zeros((NPAD - N,), jnp.int32)]
    )
    src = edge_index[0]
    dst = edge_index[1]
    src_pad = jnp.concatenate([src, jnp.zeros((EPAD - E,), jnp.int32)])
    dst_pad = jnp.concatenate(
        [dst, jnp.full((EPAD - E,), JUNK_ROW, jnp.int32)]
    )
    srcs2 = jnp.concatenate([src_pad, src_pad + N])

    x = _emb_gather(feats_pad, emb)
    nodes = _node_round1(x, W_iou, b_iou, U_f_W, U_f_b.reshape(1, H))
    nodes_flat = nodes.reshape(2 * N, H)
    red = _edge_reduce(nodes_flat, srcs2, dst_pad)
    h_sum = red[:N]
    c_agg = red[N:]
    logits = _node_round2(
        x, h_sum, c_agg, W_iou, U_iou, b_iou, lin_W, lin_b.reshape(1, NCLS)
    )
    return logits.reshape(NCLS)

# --- scband reference (transcript-rebuilt; emitter-appended) ---
"""Pipeline reference for scband-graph-lstm-73735998538262 (READ-ONLY COPY).

The authoritative reference and input builder live on the scoring server;
editing this copy changes nothing except your own understanding.
"""

import jax, jax.numpy as jnp
import numpy as np

N_NODES = 10000
N_EDGES = 320000
VOCAB = 100000
EMB = 128
H = 128
NCLS = 5
N_ITERS = 2


def setup_inputs(seed: int = 0) -> dict:
    key = jax.random.key(seed)
    ks = jax.random.split(key, 10)
    features = jax.random.randint(ks[0], (N_NODES,), 0, VOCAB, dtype=jnp.int64) if jax.config.jax_enable_x64 else jax.random.randint(ks[0], (N_NODES,), 0, VOCAB).astype(jnp.int32)
    edge_index = jax.random.randint(ks[1], (2, N_EDGES), 0, N_NODES).astype(jnp.int32)
    emb = (jax.random.normal(ks[2], (VOCAB, EMB), dtype=jnp.float32) * 0.02)
    W_iou = jax.random.normal(ks[3], (EMB, 3 * H), dtype=jnp.float32) * (1.0 / np.sqrt(EMB))
    U_iou = jax.random.normal(ks[4], (H, 3 * H), dtype=jnp.float32) * (1.0 / np.sqrt(H))
    b_iou = jnp.zeros((1, 3 * H), dtype=jnp.float32)
    U_f_W = jax.random.normal(ks[5], (H, H), dtype=jnp.float32) * (1.0 / np.sqrt(H))
    U_f_b = jnp.zeros((H,), dtype=jnp.float32)
    lin_W = jax.random.normal(ks[6], (H, NCLS), dtype=jnp.float32) * (1.0 / np.sqrt(H))
    lin_b = jnp.zeros((NCLS,), dtype=jnp.float32)
    return {
        'features': features,
        'edge_index': edge_index,
        'emb': emb,
        'W_iou': W_iou,
        'U_iou': U_iou,
        'b_iou': b_iou,
        'U_f_W': U_f_W,
        'U_f_b': U_f_b,
        'lin_W': lin_W,
        'lin_b': lin_b,
    }


def reference(features, edge_index, emb, W_iou, U_iou, b_iou, U_f_W, U_f_b, lin_W, lin_b):
    n = features.shape[0]
    # embedding lookup (gather) + input projection (W_iou, no bias, dropout is identity in eval)
    x = jnp.take(emb, features, axis=0)          # [N, EMB]
    iou_x = x @ W_iou                            # [N, 3H]
    h = jnp.zeros((n, H), dtype=jnp.float32)
    c = jnp.zeros((n, H), dtype=jnp.float32)
    src = edge_index[0]
    dst = edge_index[1]
    # dgl.prop_nodes_topo propagates level-by-level along a DAG; we unroll a
    # fixed number of synchronous message/reduce/apply rounds which exercises
    # the same gather + per-edge forget gate + scatter-add + cell-update math.
    for _ in range(N_ITERS):
        h_src = jnp.take(h, src, axis=0)                         # gather [E, H]
        c_src = jnp.take(c, src, axis=0)                         # gather [E, H]
        f = jax.nn.sigmoid(h_src @ U_f_W + U_f_b)                # per-edge forget gate
        h_sum = jnp.zeros((n, H), dtype=jnp.float32).at[dst].add(h_src)       # scatter-add (sum over mailbox h)
        c_agg = jnp.zeros((n, H), dtype=jnp.float32).at[dst].add(f * c_src)   # scatter-add (sum f*c)
        iou = iou_x + h_sum @ U_iou + b_iou
        i, o, u = jnp.split(iou, 3, axis=1)
        i = jax.nn.sigmoid(i)
        o = jax.nn.sigmoid(o)
        u = jnp.tanh(u)
        c = i * u + c_agg
        h = o * jnp.tanh(c)
    hg = jnp.mean(h, axis=0)                      # dgl.mean_nodes (single graph)
    logits = hg @ lin_W + lin_b
    return logits

if __name__ == "__main__":
    import jax
    _d = setup_inputs()
    print(jax.jit(kernel)(*tuple(_d.values())))

</pallas_src>

<mosaic_0001>
#map = affine_map<(d0, d1) -> (0)>
#map1 = affine_map<(d0, d1) -> (0, 0)>
module attributes {stable_mosaic.version = 14 : i64} {
  func.func @body(%arg0: i32, %arg1: i32, %arg2: memref<10240xi32, #tpu.memory_space<hbm>>, %arg3: memref<100000x128xf32, #tpu.memory_space<hbm>>, %arg4: memref<10240x128xf32, #tpu.memory_space<hbm>>, %arg5: memref<64xi32, #tpu.memory_space<vmem>>, %arg6: memref<64x128xf32, #tpu.memory_space<vmem>>, %arg7: memref<!tpu.dma_semaphore, #tpu.memory_space<semaphore_mem>>) attributes {dimension_semantics = [#tpu.dimension_semantics<core_parallel>, #tpu.dimension_semantics<subcore_parallel>], iteration_bounds = array<i64: 2, 16>, scalar_prefetch = 0 : i64, scratch_operands = 3 : i64, tpu.core_type = #tpu.core_type<sc_vector_subcore>, window_params = [{transform_indices = #map}, {transform_indices = #map1}, {transform_indices = #map1}]} {
    %mul3A = arith.constant 2 : i32
    %mul3A_0 = arith.muli %arg1, %mul3A : i32
    %add3A = arith.addi %mul3A_0, %arg0 : i32
    %mul3A_1 = arith.constant 320 : i32
    %mul3A_2 = arith.muli %add3A, %mul3A_1 : i32
    %scan3A = arith.constant 0 : i32
    %scan3A_3 = arith.constant 5 : i32
    %scan3A_4 = arith.addi %scan3A, %scan3A_3 : i32
    %scan3A_5 = arith.constant 1 : i32
    scf.for %scan3A_7 = %scan3A to %scan3A_4 step %scan3A_5  : i32 {
      %mul3A_8 = arith.constant 1 : i32
      %mul3A_9 = arith.muli %scan3A_7, %mul3A_8 : i32
      %add3A_10 = arith.constant 0 : i32
      %add3A_11 = arith.addi %add3A_10, %mul3A_9 : i32
      %mul3A_12 = arith.constant 64 : i32
      %mul3A_13 = arith.muli %add3A_11, %mul3A_12 : i32
      %add3A_14 = arith.addi %mul3A_2, %mul3A_13 : i32
      "tpu.region"() ({
        %run_scoped3A = tpu.sem_alloc : memref<!tpu.dma_semaphore, #tpu.memory_space<semaphore_mem>>
        %dma_start3A_19 = tpu.memref_slice %arg2[%add3A_14] : memref<10240xi32, #tpu.memory_space<hbm>> -> memref<64xi32, #tpu.memory_space<hbm>>
        %dma_start3A_20 = tpu.memref_slice %arg2[%add3A_14] : memref<10240xi32, #tpu.memory_space<hbm>> -> memref<64xi32, #tpu.memory_space<hbm>>
        tpu.enqueue_dma source(%dma_start3A_20 : memref<64xi32, #tpu.memory_space<hbm>>) target(%arg5 : memref<64xi32, #tpu.memory_space<vmem>>) target_semaphore(%run_scoped3A : memref<!tpu.dma_semaphore, #tpu.memory_space<semaphore_mem>>)
        %dma_wait3A_21 = tpu.memref_slice %arg2[%add3A_14] : memref<10240xi32, #tpu.memory_space<hbm>> -> memref<64xi32, #tpu.memory_space<hbm>>
        %dma_wait3A_22 = tpu.memref_slice %arg2[%add3A_14] : memref<10240xi32, #tpu.memory_space<hbm>> -> memref<64xi32, #tpu.memory_space<hbm>>
        tpu.wait_dma2 semaphore(%run_scoped3A : memref<!tpu.dma_semaphore, #tpu.memory_space<semaphore_mem>>) src(%dma_wait3A_22 : memref<64xi32, #tpu.memory_space<hbm>>) dst(%arg5 : memref<64xi32, #tpu.memory_space<vmem>>)
        tpu.yield
      }) : () -> ()
      %dma_start3A = arith.constant 0 : i32
      %dma_start3A_15 = arith.constant 0 : i32
      %dma_start3A_16 = tpu.memref_slice %arg3[%dma_start3A, %dma_start3A_15] : memref<100000x128xf32, #tpu.memory_space<hbm>> -> memref<100000x128xf32, #tpu.memory_space<hbm>>
      tpu.enqueue_indirect_dma source(%dma_start3A_16 : memref<100000x128xf32, #tpu.memory_space<hbm>>) target(%arg6 : memref<64x128xf32, #tpu.memory_space<vmem>>) offsets(%arg5 : memref<64xi32, #tpu.memory_space<vmem>>) semaphore(%arg7 : memref<!tpu.dma_semaphore, #tpu.memory_space<semaphore_mem>>)
      %dma_wait3A = arith.constant 0 : i32
      %dma_wait3A_17 = arith.constant 0 : i32
      %dma_wait3A_18 = tpu.memref_slice %arg3[%dma_wait3A, %dma_wait3A_17] : memref<100000x128xf32, #tpu.memory_space<hbm>> -> memref<100000x128xf32, #tpu.memory_space<hbm>>
      tpu.wait_indirect_dma semaphore(%arg7 : memref<!tpu.dma_semaphore, #tpu.memory_space<semaphore_mem>>) src(%dma_wait3A_18 : memref<100000x128xf32, #tpu.memory_space<hbm>>) dst(%arg6 : memref<64x128xf32, #tpu.memory_space<vmem>>)
      "tpu.region"() ({
        %run_scoped3A = tpu.sem_alloc : memref<!tpu.dma_semaphore, #tpu.memory_space<semaphore_mem>>
        %dma_start3A_19 = arith.constant 0 : i32
        %dma_start3A_20 = tpu.memref_slice %arg4[%add3A_14, %dma_start3A_19] : memref<10240x128xf32, #tpu.memory_space<hbm>> -> memref<64x128xf32, #tpu.memory_space<hbm>>
        %dma_start3A_21 = arith.constant 0 : i32
        %dma_start3A_22 = tpu.memref_slice %arg4[%add3A_14, %dma_start3A_21] : memref<10240x128xf32, #tpu.memory_space<hbm>> -> memref<64x128xf32, #tpu.memory_space<hbm>>
        tpu.enqueue_dma source(%arg6 : memref<64x128xf32, #tpu.memory_space<vmem>>) target(%dma_start3A_22 : memref<64x128xf32, #tpu.memory_space<hbm>>) target_semaphore(%run_scoped3A : memref<!tpu.dma_semaphore, #tpu.memory_space<semaphore_mem>>)
        %dma_wait3A_23 = arith.constant 0 : i32
        %dma_wait3A_24 = tpu.memref_slice %arg4[%add3A_14, %dma_wait3A_23] : memref<10240x128xf32, #tpu.memory_space<hbm>> -> memref<64x128xf32, #tpu.memory_space<hbm>>
        %dma_wait3A_25 = arith.constant 0 : i32
        %dma_wait3A_26 = tpu.memref_slice %arg4[%add3A_14, %dma_wait3A_25] : memref<10240x128xf32, #tpu.memory_space<hbm>> -> memref<64x128xf32, #tpu.memory_space<hbm>>
        tpu.wait_dma2 semaphore(%run_scoped3A : memref<!tpu.dma_semaphore, #tpu.memory_space<semaphore_mem>>) src(%arg6 : memref<64x128xf32, #tpu.memory_space<vmem>>) dst(%dma_wait3A_26 : memref<64x128xf32, #tpu.memory_space<hbm>>)
        tpu.yield
      }) : () -> ()
    }
    %scan3A_6 = arith.constant 5 : i32
    return
  }
}

#map = affine_map<(d0, d1) -> (0, 0)>
#map1 = affine_map<(d0, d1) -> (0)>
module attributes {stable_mosaic.version = 14 : i64} {
  func.func @body(%arg0: i32, %arg1: i32, %arg2: memref<20000x128xf32, #tpu.memory_space<hbm>>, %arg3: memref<651264xi32, #tpu.memory_space<hbm>>, %arg4: memref<325632xi32, #tpu.memory_space<hbm>>, %arg5: memref<20000x128xf32, #tpu.memory_space<hbm>>, %arg6: memref<3x128xi32, #tpu.memory_space<vmem>>, %arg7: memref<3x128xi32, #tpu.memory_space<vmem>>, %arg8: memref<3x128x128xf32, #tpu.memory_space<vmem>>, %arg9: memref<10016x128xf32, #tpu.memory_space<vmem_shared>>, %arg10: memref<!tpu.dma_semaphore, #tpu.memory_space<semaphore_mem>>, %arg11: memref<!tpu.dma_semaphore, #tpu.memory_space<semaphore_mem>>, %arg12: memref<!tpu.dma_semaphore, #tpu.memory_space<semaphore_mem>>, %arg13: memref<!tpu.dma_semaphore, #tpu.memory_space<semaphore_mem>>, %arg14: memref<!tpu.dma_semaphore, #tpu.memory_space<semaphore_mem>>, %arg15: memref<!tpu.dma_semaphore, #tpu.memory_space<semaphore_mem>>, %arg16: memref<!tpu.dma_semaphore, #tpu.memory_space<semaphore_mem>>) attributes {dimension_semantics = [#tpu.dimension_semantics<core_parallel>, #tpu.dimension_semantics<subcore_parallel>], iteration_bounds = array<i64: 2, 16>, scalar_prefetch = 0 : i64, scratch_operands = 11 : i64, tpu.core_type = #tpu.core_type<sc_vector_subcore>, window_params = [{transform_indices = #map}, {transform_indices = #map1}, {transform_indices = #map1}, {transform_indices = #map}]} {
    %mul3A = arith.constant 325632 : i32
    %mul3A_0 = arith.muli %arg0, %mul3A : i32
    %mul3A_1 = arith.constant 20352 : i32
    %mul3A_2 = arith.muli %arg1, %mul3A_1 : i32
    %add3A = arith.addi %mul3A_0, %mul3A_2 : i32
    %mul3A_3 = arith.constant 20352 : i32
    %mul3A_4 = arith.muli %arg1, %mul3A_3 : i32
    %scan3A = arith.constant 0 : i32
    %scan3A_5 = arith.constant 128 : i32
    %scan3A_6 = arith.addi %scan3A, %scan3A_5 : i32
    %scan3A_7 = arith.constant 1 : i32
    scf.for %scan3A_305 = %scan3A to %scan3A_6 step %scan3A_7  : i32 {
      %mul3A_306 = arith.constant 1 : i32
      %mul3A_307 = arith.muli %scan3A_305, %mul3A_306 : i32
      %add3A_308 = arith.constant 0 : i32
      %add3A_309 = arith.addi %add3A_308, %mul3A_307 : i32
      %broadcast_in_dim3A = arith.constant 0.000000e+00 : f32
      %broadcast_in_dim3A_310 = vector.broadcast %broadcast_in_dim3A : f32 to vector<16xf32>
      %swap3A = arith.constant 0 : i32
      %swap3A_311 = arith.index_cast %swap3A : i32 to index
      %swap3A_312 = arith.index_cast %add3A_309 : i32 to index
      %swap3A_313 = arith.constant 0 : index
      %swap3A_314 = tpu.vector_load %arg8[%swap3A_311, %swap3A_312, %swap3A_313] {strides = array<i32>} : memref<3x128x128xf32, #tpu.memory_space<vmem>>, vector<1x1x16xf32>,
      %swap3A_315 = vector.shape_cast %swap3A_314 : vector<1x1x16xf32> to vector<16xf32>
      %swap3A_316 = vector.shape_cast %broadcast_in_dim3A_310 : vector<16xf32> to vector<1x1x16xf32>
      tpu.vector_store %arg8[%swap3A_311, %swap3A_312, %swap3A_313], %swap3A_316 {strides = array<i32>} : memref<3x128x128xf32, #tpu.memory_space<vmem>>, vector<1x1x16xf32>,
      %broadcast_in_dim3A_317 = arith.constant 0.000000e+00 : f32
      %broadcast_in_dim3A_318 = vector.broadcast %broadcast_in_dim3A_317 : f32 to vector<16xf32>
      %swap3A_319 = arith.constant 0 : i32
      %swap3A_320 = arith.index_cast %swap3A_319 : i32 to index
      %swap3A_321 = arith.index_cast %add3A_309 : i32 to index
      %swap3A_322 = arith.constant 16 : index
      %swap3A_323 = tpu.vector_load %arg8[%swap3A_320, %swap3A_321, %swap3A_322] {strides = array<i32>} : memref<3x128x128xf32, #tpu.memory_space<vmem>>, vector<1x1x16xf32>,
      %swap3A_324 = vector.shape_cast %swap3A_323 : vector<1x1x16xf32> to vector<16xf32>
      %swap3A_325 = vector.shape_cast %broadcast_in_dim3A_318 : vector<16xf32> to vector<1x1x16xf32>
      tpu.vector_store %arg8[%swap3A_320, %swap3A_321, %swap3A_322], %swap3A_325 {strides = array<i32>} : memref<3x128x128xf32, #tpu.memory_space<vmem>>, vector<1x1x16xf32>,
      %broadcast_in_dim3A_326 = arith.constant 0.000000e+00 : f32
      %broadcast_in_dim3A_327 = vector.broadcast %broadcast_in_dim3A_326 : f32 to vector<16xf32>
      %swap3A_328 = arith.constant 0 : i32
      %swap3A_329 = arith.index_cast %swap3A_328 : i32 to index
      %swap3A_330 = arith.index_cast %add3A_309 : i32 to index
      %swap3A_331 = arith.constant 32 : index
      %swap3A_332 = tpu.vector_load %arg8[%swap3A_329, %swap3A_330, %swap3A_331] {strides = array<i32>} : memref<3x128x128xf32, #tpu.memory_space<vmem>>, vector<1x1x16xf32>,
      %swap3A_333 = vector.shape_cast %swap3A_332 : vector<1x1x16xf32> to vector<16xf32>
      %swap3A_334 = vector.shape_cast %broadcast_in_dim3A_327 : vector<16xf32> to vector<1x1x16xf32>
      tpu.vector_store %arg8[%swap3A_329, %swap3A_330, %swap3A_331], %swap3A_334 {strides = array<i32>} : memref<3x128x128xf32, #tpu.memory_space<vmem>>, vector<1x1x16xf32>,
      %broadcast_in_dim3A_335 = arith.constant 0.000000e+00 : f32
      %broadcast_in_dim3A_336 = vector.broadcast %broadcast_in_dim3A_335 : f32 to vector<16xf32>
      %swap3A_337 = arith.constant 0 : i32
      %swap3A_338 = arith.index_cast %swap3A_337 : i32 to index
      %swap3A_339 = arith.index_cast %add3A_309 : i32 to index
      %swap3A_340 = arith.constant 48 : index
      %swap3A_341 = tpu.vector_load %arg8[%swap3A_338, %swap3A_339, %swap3A_340] {strides = array<i32>} : memref<3x128x128xf32, #tpu.memory_space<vmem>>, vector<1x1x16xf32>,
      %swap3A_342 = vector.shape_cast %swap3A_341 : vector<1x1x16xf32> to vector<16xf32>
      %swap3A_343 = vector.shape_cast %broadcast_in_dim3A_336 : vector<16xf32> to vector<1x1x16xf32>
      tpu.vector_store %arg8[%swap3A_338, %swap3A_339, %swap3A_340], %swap3A_343 {strides = array<i32>} : memref<3x128x128xf32, #tpu.memory_space<vmem>>, vector<1x1x16xf32>,
      %broadcast_in_dim3A_344 = arith.constant 0.000000e+00 : f32
      %broadcast_in_dim3A_345 = vector.broadcast %broadcast_in_dim3A_344 : f32 to vector<16xf32>
      %swap3A_346 = arith.constant 0 : i32
      %swap3A_347 = arith.index_cast %swap3A_346 : i32 to index
      %swap3A_348 = arith.index_cast %add3A_309 : i32 to index
      %swap3A_349 = arith.constant 64 : index
      %swap3A_350 = tpu.vector_load %arg8[%swap3A_347, %swap3A_348, %swap3A_349] {strides = array<i32>} : memref<3x128x128xf32, #tpu.memory_space<vmem>>, vector<1x1x16xf32>,
      %swap3A_351 = vector.shape_cast %swap3A_350 : vector<1x1x16xf32> to vector<16xf32>
      %swap3A_352 = vector.shape_cast %broadcast_in_dim3A_345 : vector<16xf32> to vector<1x1x16xf32>
      tpu.vector_store %arg8[%swap3A_347, %swap3A_348, %swap3A_349], %swap3A_352 {strides = array<i32>} : memref<3x128x128xf32, #tpu.memory_space<vmem>>, vector<1x1x16xf32>,
      %broadcast_in_dim3A_353 = arith.constant 0.000000e+00 : f32
      %broadcast_in_dim3A_354 = vector.broadcast %broadcast_in_dim3A_353 : f32 to vector<16xf32>
      %swap3A_355 = arith.constant 0 : i32
      %swap3A_356 = arith.index_cast %swap3A_355 : i32 to index
      %swap3A_357 = arith.index_cast %add3A_309 : i32 to index
      %swap3A_358 = arith.constant 80 : index
      %swap3A_359 = tpu.vector_load %arg8[%swap3A_356, %swap3A_357, %swap3A_358] {strides = array<i32>} : memref<3x128x128xf32, #tpu.memory_space<vmem>>, vector<1x1x16xf32>,
      %swap3A_360 = vector.shape_cast %swap3A_359 : vector<1x1x16xf32> to vector<16xf32>
      %swap3A_361 = vector.shape_cast %broadcast_in_dim3A_354 : vector<16xf32> to vector<1x1x16xf32>
      tpu.vector_store %arg8[%swap3A_356, %swap3A_357, %swap3A_358], %swap3A_361 {strides = array<i32>} : memref<3x128x128xf32, #tpu.memory_space<vmem>>, vector<1x1x16xf32>,
      %broadcast_in_dim3A_362 = arith.constant 0.000000e+00 : f32
      %broadcast_in_dim3A_363 = vector.broadcast %broadcast_in_dim3A_362 : f32 to vector<16xf32>
      %swap3A_364 = arith.constant 0 : i32
      %swap3A_365 = arith.index_cast %swap3A_364 : i32 to index
      %swap3A_366 = arith.index_cast %add3A_309 : i32 to index
      %swap3A_367 = arith.constant 96 : index
      %swap3A_368 = tpu.vector_load %arg8[%swap3A_365, %swap3A_366, %swap3A_367] {strides = array<i32>} : memref<3x128x128xf32, #tpu.memory_space<vmem>>, vector<1x1x16xf32>,
      %swap3A_369 = vector.shape_cast %swap3A_368 : vector<1x1x16xf32> to vector<16xf32>
      %swap3A_370 = vector.shape_cast %broadcast_in_dim3A_363 : vector<16xf32> to vector<1x1x16xf32>
      tpu.vector_store %arg8[%swap3A_365, %swap3A_366, %swap3A_367], %swap3A_370 {strides = array<i32>} : memref<3x128x128xf32, #tpu.memory_space<vmem>>, vector<1x1x16xf32>,
      %broadcast_in_dim3A_371 = arith.constant 0.000000e+00 : f32
      %broadcast_in_dim3A_372 = vector.broadcast %broadcast_in_dim3A_371 : f32 to vector<16xf32>
      %swap3A_373 = arith.constant 0 : i32
      %swap3A_374 = arith.index_cast %swap3A_373 : i32 to index
      %swap3A_375 = arith.index_cast %add3A_309 : i32 to index
      %swap3A_376 = arith.constant 112 : index
      %swap3A_377 = tpu.vector_load %arg8[%swap3A_374, %swap3A_375, %swap3A_376] {strides = array<i32>} : memref<3x128x128xf32, #tpu.memory_space<vmem>>, vector<1x1x16xf32>,
      %swap3A_378 = vector.shape_cast %swap3A_377 : vector<1x1x16xf32> to vector<16xf32>
      %swap3A_379 = vector.shape_cast %broadcast_in_dim3A_372 : vector<16xf32> to vector<1x1x16xf32>
      tpu.vector_store %arg8[%swap3A_374, %swap3A_375, %swap3A_376], %swap3A_379 {strides = array<i32>} : memref<3x128x128xf32, #tpu.memory_space<vmem>>, vector<1x1x16xf32>,
    }
    %scan3A_8 = arith.constant 128 : i32
    %mul3A_9 = arith.constant 632 : i32
    %mul3A_10 = arith.muli %arg1, %mul3A_9 : i32
    %scan3A_11 = arith.constant 0 : i32
    %scan3A_12 = arith.constant 4 : i32
    %scan3A_13 = arith.addi %scan3A_11, %scan3A_12 : i32
    %scan3A_14 = arith.constant 1 : i32
    scf.for %scan3A_305 = %scan3A_11 to %scan3A_13 step %scan3A_14  : i32 {
      %mul3A_306 = arith.constant 1 : i32
      %mul3A_307 = arith.muli %scan3A_305, %mul3A_306 : i32
      %add3A_308 = arith.constant 0 : i32
      %add3A_309 = arith.addi %add3A_308, %mul3A_307 : i32
      %mul3A_310 = arith.constant 128 : i32
      %mul3A_311 = arith.muli %add3A_309, %mul3A_310 : i32
      %add3A_312 = arith.addi %mul3A_10, %mul3A_311 : i32
      %run_scoped3A = arith.constant 0 : i32
      "tpu.region"() ({
        %run_scoped3A_313 = tpu.sem_alloc : memref<!tpu.dma_semaphore, #tpu.memory_space<semaphore_mem>>
        %dma_start3A_314 = arith.constant 0 : i32
        %dma_start3A_315 = arith.constant 0 : i32
        %dma_start3A_316 = tpu.memref_slice %arg8[%run_scoped3A, %dma_start3A_314, %dma_start3A_315] : memref<3x128x128xf32, #tpu.memory_space<vmem>> -> memref<1x128x128xf32, #tpu.memory_space<vmem>>
        %dma_start3A_317 = tpu.memref_squeeze %dma_start3A_316 : memref<1x128x128xf32, #tpu.memory_space<vmem>> -> memref<128x128xf32, #tpu.memory_space<vmem>>
        %dma_start3A_318 = arith.constant 0 : i32
        %dma_start3A_319 = tpu.memref_slice %arg9[%add3A_312, %dma_start3A_318] : memref<10016x128xf32, #tpu.memory_space<vmem_shared>> -> memref<128x128xf32, #tpu.memory_space<vmem_shared>>
        %dma_start3A_320 = arith.constant 0 : i32
        %dma_start3A_321 = tpu.memref_slice %arg9[%add3A_312, %dma_start3A_320] : memref<10016x128xf32, #tpu.memory_space<vmem_shared>> -> memref<128x128xf32, #tpu.memory_space<vmem_shared>>
        %dma_start3A_322 = arith.constant 0 : i32
        %dma_start3A_323 = arith.constant 0 : i32
        %dma_start3A_324 = tpu.memref_slice %arg8[%run_scoped3A, %dma_start3A_322, %dma_start3A_323] : memref<3x128x128xf32, #tpu.memory_space<vmem>> -> memref<1x128x128xf32, #tpu.memory_space<vmem>>
        %dma_start3A_325 = tpu.memref_squeeze %dma_start3A_324 : memref<1x128x128xf32, #tpu.memory_space<vmem>> -> memref<128x128xf32, #tpu.memory_space<vmem>>
        tpu.enqueue_dma source(%dma_start3A_325 : memref<128x128xf32, #tpu.memory_space<vmem>>) target(%dma_start3A_321 : memref<128x128xf32, #tpu.memory_space<vmem_shared>>) target_semaphore(%run_scoped3A_313 : memref<!tpu.dma_semaphore, #tpu.memory_space<semaphore_mem>>)
        %dma_wait3A_326 = arith.constant 0 : i32
        %dma_wait3A_327 = arith.constant 0 : i32
        %dma_wait3A_328 = tpu.memref_slice %arg8[%run_scoped3A, %dma_wait3A_326, %dma_wait3A_327] : memref<3x128x128xf32, #tpu.memory_space<vmem>> -> memref<1x128x128xf32, #tpu.memory_space<vmem>>
        %dma_wait3A_329 = tpu.memref_squeeze %dma_wait3A_328 : memref<1x128x128xf32, #tpu.memory_space<vmem>> -> memref<128x128xf32, #tpu.memory_space<vmem>>
        %dma_wait3A_330 = arith.constant 0 : i32
        %dma_wait3A_331 = tpu.memref_slice %arg9[%add3A_312, %dma_wait3A_330] : memref<10016x128xf32, #tpu.memory_space<vmem_shared>> -> memref<128x128xf32, #tpu.memory_space<vmem_shared>>
        %dma_wait3A_332 = arith.constant 0 : i32
        %dma_wait3A_333 = tpu.memref_slice %arg9[%add3A_312, %dma_wait3A_332] : memref<10016x128xf32, #tpu.memory_space<vmem_shared>> -> memref<128x128xf32, #tpu.memory_space<vmem_shared>>
        %dma_wait3A_334 = arith.constant 0 : i32
        %dma_wait3A_335 = arith.constant 0 : i32
        %dma_wait3A_336 = tpu.memref_slice %arg8[%run_scoped3A, %dma_wait3A_334, %dma_wait3A_335] : memref<3x128x128xf32, #tpu.memory_space<vmem>> -> memref<1x128x128xf32, #tpu.memory_space<vmem>>
        %dma_wait3A_337 = tpu.memref_squeeze %dma_wait3A_336 : memref<1x128x128xf32, #tpu.memory_space<vmem>> -> memref<128x128xf32, #tpu.memory_space<vmem>>
        tpu.wait_dma2 semaphore(%run_scoped3A_313 : memref<!tpu.dma_semaphore, #tpu.memory_space<semaphore_mem>>) src(%dma_wait3A_337 : memref<128x128xf32, #tpu.memory_space<vmem>>) dst(%dma_wait3A_333 : memref<128x128xf32, #tpu.memory_space<vmem_shared>>)
        tpu.yield
      }) : () -> ()
    }
    %scan3A_15 = arith.constant 4 : i32
    %lt3A = arith.constant 15 : i32
    %lt3A_16 = arith.cmpi slt, %arg1, %lt3A : i32
    %convert_element_type3A = arith.extui %lt3A_16 : i1 to i32
    %cond3A = arith.constant 0 : i32
    %cond3A_17 = arith.cmpi ne, %convert_element_type3A, %cond3A : i32
    scf.if %cond3A_17 {
      %add3A_305 = arith.constant 512 : i32
      %add3A_306 = arith.addi %mul3A_10, %add3A_305 : i32
      %run_scoped3A = arith.constant 0 : i32
      "tpu.region"() ({
        %run_scoped3A_307 = tpu.sem_alloc : memref<!tpu.dma_semaphore, #tpu.memory_space<semaphore_mem>>
        %dma_start3A_308 = arith.constant 0 : i32
        %dma_start3A_309 = arith.constant 0 : i32
        %dma_start3A_310 = tpu.memref_slice %arg8[%run_scoped3A, %dma_start3A_308, %dma_start3A_309] : memref<3x128x128xf32, #tpu.memory_space<vmem>> -> memref<1x120x128xf32, #tpu.memory_space<vmem>>
        %dma_start3A_311 = tpu.memref_squeeze %dma_start3A_310 : memref<1x120x128xf32, #tpu.memory_space<vmem>> -> memref<120x128xf32, #tpu.memory_space<vmem>>
        %dma_start3A_312 = arith.constant 0 : i32
        %dma_start3A_313 = tpu.memref_slice %arg9[%add3A_306, %dma_start3A_312] : memref<10016x128xf32, #tpu.memory_space<vmem_shared>> -> memref<120x128xf32, #tpu.memory_space<vmem_shared>>
        %dma_start3A_314 = arith.constant 0 : i32
        %dma_start3A_315 = tpu.memref_slice %arg9[%add3A_306, %dma_start3A_314] : memref<10016x128xf32, #tpu.memory_space<vmem_shared>> -> memref<120x128xf32, #tpu.memory_space<vmem_shared>>
        %dma_start3A_316 = arith.constant 0 : i32
        %dma_start3A_317 = arith.constant 0 : i32
        %dma_start3A_318 = tpu.memref_slice %arg8[%run_scoped3A, %dma_start3A_316, %dma_start3A_317] : memref<3x128x128xf32, #tpu.memory_space<vmem>> -> memref<1x120x128xf32, #tpu.memory_space<vmem>>
        %dma_start3A_319 = tpu.memref_squeeze %dma_start3A_318 : memref<1x120x128xf32, #tpu.memory_space<vmem>> -> memref<120x128xf32, #tpu.memory_space<vmem>>
        tpu.enqueue_dma source(%dma_start3A_319 : memref<120x128xf32, #tpu.memory_space<vmem>>) target(%dma_start3A_315 : memref<120x128xf32, #tpu.memory_space<vmem_shared>>) target_semaphore(%run_scoped3A_307 : memref<!tpu.dma_semaphore, #tpu.memory_space<semaphore_mem>>)
        %dma_wait3A_320 = arith.constant 0 : i32
        %dma_wait3A_321 = arith.constant 0 : i32
        %dma_wait3A_322 = tpu.memref_slice %arg8[%run_scoped3A, %dma_wait3A_320, %dma_wait3A_321] : memref<3x128x128xf32, #tpu.memory_space<vmem>> -> memref<1x120x128xf32, #tpu.memory_space<vmem>>
        %dma_wait3A_323 = tpu.memref_squeeze %dma_wait3A_322 : memref<1x120x128xf32, #tpu.memory_space<vmem>> -> memref<120x128xf32, #tpu.memory_space<vmem>>
        %dma_wait3A_324 = arith.constant 0 : i32
        %dma_wait3A_325 = tpu.memref_slice %arg9[%add3A_306, %dma_wait3A_324] : memref<10016x128xf32, #tpu.memory_space<vmem_shared>> -> memref<120x128xf32, #tpu.memory_space<vmem_shared>>
        %dma_wait3A_326 = arith.constant 0 : i32
        %dma_wait3A_327 = tpu.memref_slice %arg9[%add3A_306, %dma_wait3A_326] : memref<10016x128xf32, #tpu.memory_space<vmem_shared>> -> memref<120x128xf32, #tpu.memory_space<vmem_shared>>
        %dma_wait3A_328 = arith.constant 0 : i32
        %dma_wait3A_329 = arith.constant 0 : i32
        %dma_wait3A_330 = tpu.memref_slice %arg8[%run_scoped3A, %dma_wait3A_328, %dma_wait3A_329] : memref<3x128x128xf32, #tpu.memory_space<vmem>> -> memref<1x120x128xf32, #tpu.memory_space<vmem>>
        %dma_wait3A_331 = tpu.memref_squeeze %dma_wait3A_330 : memref<1x120x128xf32, #tpu.memory_space<vmem>> -> memref<120x128xf32, #tpu.memory_space<vmem>>
        tpu.wait_dma2 semaphore(%run_scoped3A_307 : memref<!tpu.dma_semaphore, #tpu.memory_space<semaphore_mem>>) src(%dma_wait3A_331 : memref<120x128xf32, #tpu.memory_space<vmem>>) dst(%dma_wait3A_327 : memref<120x128xf32, #tpu.memory_space<vmem_shared>>)
        tpu.yield
      }) : () -> ()
    } else {
    }
    %eq3A = arith.constant 15 : i32
    %eq3A_18 = arith.cmpi eq, %arg1, %eq3A : i32
    %convert_element_type3A_19 = arith.extui %eq3A_18 : i1 to i32
    %cond3A_20 = arith.constant 0 : i32
    %cond3A_21 = arith.cmpi ne, %convert_element_type3A_19, %cond3A_20 : i32
    scf.if %cond3A_21 {
      %add3A_305 = arith.constant 512 : i32
      %add3A_306 = arith.addi %mul3A_10, %add3A_305 : i32
      %run_scoped3A = arith.constant 0 : i32
      "tpu.region"() ({
        %run_scoped3A_307 = tpu.sem_alloc : memref<!tpu.dma_semaphore, #tpu.memory_space<semaphore_mem>>
        %dma_start3A_308 = arith.constant 0 : i32
        %dma_start3A_309 = arith.constant 0 : i32
        %dma_start3A_310 = tpu.memref_slice %arg8[%run_scoped3A, %dma_start3A_308, %dma_start3A_309] : memref<3x128x128xf32, #tpu.memory_space<vmem>> -> memref<1x24x128xf32, #tpu.memory_space<vmem>>
        %dma_start3A_311 = tpu.memref_squeeze %dma_start3A_310 : memref<1x24x128xf32, #tpu.memory_space<vmem>> -> memref<24x128xf32, #tpu.memory_space<vmem>>
        %dma_start3A_312 = arith.constant 0 : i32
        %dma_start3A_313 = tpu.memref_slice %arg9[%add3A_306, %dma_start3A_312] : memref<10016x128xf32, #tpu.memory_space<vmem_shared>> -> memref<24x128xf32, #tpu.memory_space<vmem_shared>>
        %dma_start3A_314 = arith.constant 0 : i32
        %dma_start3A_315 = tpu.memref_slice %arg9[%add3A_306, %dma_start3A_314] : memref<10016x128xf32, #tpu.memory_space<vmem_shared>> -> memref<24x128xf32, #tpu.memory_space<vmem_shared>>
        %dma_start3A_316 = arith.constant 0 : i32
        %dma_start3A_317 = arith.constant 0 : i32
        %dma_start3A_318 = tpu.memref_slice %arg8[%run_scoped3A, %dma_start3A_316, %dma_start3A_317] : memref<3x128x128xf32, #tpu.memory_space<vmem>> -> memref<1x24x128xf32, #tpu.memory_space<vmem>>
        %dma_start3A_319 = tpu.memref_squeeze %dma_start3A_318 : memref<1x24x128xf32, #tpu.memory_space<vmem>> -> memref<24x128xf32, #tpu.memory_space<vmem>>
        tpu.enqueue_dma source(%dma_start3A_319 : memref<24x128xf32, #tpu.memory_space<vmem>>) target(%dma_start3A_315 : memref<24x128xf32, #tpu.memory_space<vmem_shared>>) target_semaphore(%run_scoped3A_307 : memref<!tpu.dma_semaphore, #tpu.memory_space<semaphore_mem>>)
        %dma_wait3A_320 = arith.constant 0 : i32
        %dma_wait3A_321 = arith.constant 0 : i32
        %dma_wait3A_322 = tpu.memref_slice %arg8[%run_scoped3A, %dma_wait3A_320, %dma_wait3A_321] : memref<3x128x128xf32, #tpu.memory_space<vmem>> -> memref<1x24x128xf32, #tpu.memory_space<vmem>>
        %dma_wait3A_323 = tpu.memref_squeeze %dma_wait3A_322 : memref<1x24x128xf32, #tpu.memory_space<vmem>> -> memref<24x128xf32, #tpu.memory_space<vmem>>
        %dma_wait3A_324 = arith.constant 0 : i32
        %dma_wait3A_325 = tpu.memref_slice %arg9[%add3A_306, %dma_wait3A_324] : memref<10016x128xf32, #tpu.memory_space<vmem_shared>> -> memref<24x128xf32, #tpu.memory_space<vmem_shared>>
        %dma_wait3A_326 = arith.constant 0 : i32
        %dma_wait3A_327 = tpu.memref_slice %arg9[%add3A_306, %dma_wait3A_326] : memref<10016x128xf32, #tpu.memory_space<vmem_shared>> -> memref<24x128xf32, #tpu.memory_space<vmem_shared>>
        %dma_wait3A_328 = arith.constant 0 : i32
        %dma_wait3A_329 = arith.constant 0 : i32
        %dma_wait3A_330 = tpu.memref_slice %arg8[%run_scoped3A, %dma_wait3A_328, %dma_wait3A_329] : memref<3x128x128xf32, #tpu.memory_space<vmem>> -> memref<1x24x128xf32, #tpu.memory_space<vmem>>
        %dma_wait3A_331 = tpu.memref_squeeze %dma_wait3A_330 : memref<1x24x128xf32, #tpu.memory_space<vmem>> -> memref<24x128xf32, #tpu.memory_space<vmem>>
        tpu.wait_dma2 semaphore(%run_scoped3A_307 : memref<!tpu.dma_semaphore, #tpu.memory_space<semaphore_mem>>) src(%dma_wait3A_331 : memref<24x128xf32, #tpu.memory_space<vmem>>) dst(%dma_wait3A_327 : memref<24x128xf32, #tpu.memory_space<vmem_shared>>)
        tpu.yield
      }) : () -> ()
    } else {
    }
    %barrier3A = arith.constant 0 : index
    tpu.barrier barrier_id(%barrier3A)
    %add3A_22 = arith.constant 0 : i32
    %add3A_23 = arith.addi %add3A, %add3A_22 : i32
    %dma_start3A = arith.constant 0 : i32
    %dma_start3A_24 = arith.constant 0 : i32
    %dma_start3A_25 = tpu.memref_slice %arg6[%dma_start3A, %dma_start3A_24] : memref<3x128xi32, #tpu.memory_space<vmem>> -> memref<1x128xi32, #tpu.memory_space<vmem>>
    %dma_start3A_26 = tpu.memref_squeeze %dma_start3A_25 : memref<1x128xi32, #tpu.memory_space<vmem>> -> memref<128xi32, #tpu.memory_space<vmem>>
    %dma_start3A_27 = tpu.memref_slice %arg3[%add3A_23] : memref<651264xi32, #tpu.memory_space<hbm>> -> memref<128xi32, #tpu.memory_space<hbm>>
    %dma_start3A_28 = arith.constant 0 : i32
    %dma_start3A_29 = tpu.memref_slice %arg6[%dma_start3A, %dma_start3A_28] : memref<3x128xi32, #tpu.memory_space<vmem>> -> memref<1x128xi32, #tpu.memory_space<vmem>>
    %dma_start3A_30 = tpu.memref_squeeze %dma_start3A_29 : memref<1x128xi32, #tpu.memory_space<vmem>> -> memref<128xi32, #tpu.memory_space<vmem>>
    %dma_start3A_31 = tpu.memref_slice %arg3[%add3A_23] : memref<651264xi32, #tpu.memory_space<hbm>> -> memref<128xi32, #tpu.memory_space<hbm>>
    tpu.enqueue_dma source(%dma_start3A_31 : memref<128xi32, #tpu.memory_space<hbm>>) target(%dma_start3A_30 : memref<128xi32, #tpu.memory_space<vmem>>) target_semaphore(%arg14 : memref<!tpu.dma_semaphore, #tpu.memory_space<semaphore_mem>>)
    %add3A_32 = arith.constant 0 : i32
    %add3A_33 = arith.addi %mul3A_4, %add3A_32 : i32
    %dma_start3A_34 = arith.constant 0 : i32
    %dma_start3A_35 = arith.constant 0 : i32
    %dma_start3A_36 = tpu.memref_slice %arg7[%dma_start3A_34, %dma_start3A_35] : memref<3x128xi32, #tpu.memory_space<vmem>> -> memref<1x128xi32, #tpu.memory_space<vmem>>
    %dma_start3A_37 = tpu.memref_squeeze %dma_start3A_36 : memref<1x128xi32, #tpu.memory_space<vmem>> -> memref<128xi32, #tpu.memory_space<vmem>>
    %dma_start3A_38 = tpu.memref_slice %arg4[%add3A_33] : memref<325632xi32, #tpu.memory_space<hbm>> -> memref<128xi32, #tpu.memory_space<hbm>>
    %dma_start3A_39 = arith.constant 0 : i32
    %dma_start3A_40 = tpu.memref_slice %arg7[%dma_start3A_34, %dma_start3A_39] : memref<3x128xi32, #tpu.memory_space<vmem>> -> memref<1x128xi32, #tpu.memory_space<vmem>>
    %dma_start3A_41 = tpu.memref_squeeze %dma_start3A_40 : memref<1x128xi32, #tpu.memory_space<vmem>> -> memref<128xi32, #tpu.memory_space<vmem>>
    %dma_start3A_42 = tpu.memref_slice %arg4[%add3A_33] : memref<325632xi32, #tpu.memory_space<hbm>> -> memref<128xi32, #tpu.memory_space<hbm>>
    tpu.enqueue_dma source(%dma_start3A_42 : memref<128xi32, #tpu.memory_space<hbm>>) target(%dma_start3A_41 : memref<128xi32, #tpu.memory_space<vmem>>) target_semaphore(%arg14 : memref<!tpu.dma_semaphore, #tpu.memory_space<semaphore_mem>>)
    %add3A_43 = arith.constant 128 : i32
    %add3A_44 = arith.addi %add3A, %add3A_43 : i32
    %dma_start3A_45 = arith.constant 1 : i32
    %dma_start3A_46 = arith.constant 0 : i32
    %dma_start3A_47 = tpu.memref_slice %arg6[%dma_start3A_45, %dma_start3A_46] : memref<3x128xi32, #tpu.memory_space<vmem>> -> memref<1x128xi32, #tpu.memory_space<vmem>>
    %dma_start3A_48 = tpu.memref_squeeze %dma_start3A_47 : memref<1x128xi32, #tpu.memory_space<vmem>> -> memref<128xi32, #tpu.memory_space<vmem>>
    %dma_start3A_49 = tpu.memref_slice %arg3[%add3A_44] : memref<651264xi32, #tpu.memory_space<hbm>> -> memref<128xi32, #tpu.memory_space<hbm>>
    %dma_start3A_50 = arith.constant 0 : i32
    %dma_start3A_51 = tpu.memref_slice %arg6[%dma_start3A_45, %dma_start3A_50] : memref<3x128xi32, #tpu.memory_space<vmem>> -> memref<1x128xi32, #tpu.memory_space<vmem>>
    %dma_start3A_52 = tpu.memref_squeeze %dma_start3A_51 : memref<1x128xi32, #tpu.memory_space<vmem>> -> memref<128xi32, #tpu.memory_space<vmem>>
    %dma_start3A_53 = tpu.memref_slice %arg3[%add3A_44] : memref<651264xi32, #tpu.memory_space<hbm>> -> memref<128xi32, #tpu.memory_space<hbm>>
    tpu.enqueue_dma source(%dma_start3A_53 : memref<128xi32, #tpu.memory_space<hbm>>) target(%dma_start3A_52 : memref<128xi32, #tpu.memory_space<vmem>>) target_semaphore(%arg15 : memref<!tpu.dma_semaphore, #tpu.memory_space<semaphore_mem>>)
    %add3A_54 = arith.constant 128 : i32
    %add3A_55 = arith.addi %mul3A_4, %add3A_54 : i32
    %dma_start3A_56 = arith.constant 1 : i32
    %dma_start3A_57 = arith.constant 0 : i32
    %dma_start3A_58 = tpu.memref_slice %arg7[%dma_start3A_56, %dma_start3A_57] : memref<3x128xi32, #tpu.memory_space<vmem>> -> memref<1x128xi32, #tpu.memory_space<vmem>>
    %dma_start3A_59 = tpu.memref_squeeze %dma_start3A_58 : memref<1x128xi32, #tpu.memory_space<vmem>> -> memref<128xi32, #tpu.memory_space<vmem>>
    %dma_start3A_60 = tpu.memref_slice %arg4[%add3A_55] : memref<325632xi32, #tpu.memory_space<hbm>> -> memref<128xi32, #tpu.memory_space<hbm>>
    %dma_start3A_61 = arith.constant 0 : i32
    %dma_start3A_62 = tpu.memref_slice %arg7[%dma_start3A_56, %dma_start3A_61] : memref<3x128xi32, #tpu.memory_space<vmem>> -> memref<1x128xi32, #tpu.memory_space<vmem>>
    %dma_start3A_63 = tpu.memref_squeeze %dma_start3A_62 : memref<1x128xi32, #tpu.memory_space<vmem>> -> memref<128xi32, #tpu.memory_space<vmem>>
    %dma_start3A_64 = tpu.memref_slice %arg4[%add3A_55] : memref<325632xi32, #tpu.memory_space<hbm>> -> memref<128xi32, #tpu.memory_space<hbm>>
    tpu.enqueue_dma source(%dma_start3A_64 : memref<128xi32, #tpu.memory_space<hbm>>) target(%dma_start3A_63 : memref<128xi32, #tpu.memory_space<vmem>>) target_semaphore(%arg15 : memref<!tpu.dma_semaphore, #tpu.memory_space<semaphore_mem>>)
    %add3A_65 = arith.constant 256 : i32
    %add3A_66 = arith.addi %add3A, %add3A_65 : i32
    %dma_start3A_67 = arith.constant 2 : i32
    %dma_start3A_68 = arith.constant 0 : i32
    %dma_start3A_69 = tpu.memref_slice %arg6[%dma_start3A_67, %dma_start3A_68] : memref<3x128xi32, #tpu.memory_space<vmem>> -> memref<1x128xi32, #tpu.memory_space<vmem>>
    %dma_start3A_70 = tpu.memref_squeeze %dma_start3A_69 : memref<1x128xi32, #tpu.memory_space<vmem>> -> memref<128xi32, #tpu.memory_space<vmem>>
    %dma_start3A_71 = tpu.memref_slice %arg3[%add3A_66] : memref<651264xi32, #tpu.memory_space<hbm>> -> memref<128xi32, #tpu.memory_space<hbm>>
    %dma_start3A_72 = arith.constant 0 : i32
    %dma_start3A_73 = tpu.memref_slice %arg6[%dma_start3A_67, %dma_start3A_72] : memref<3x128xi32, #tpu.memory_space<vmem>> -> memref<1x128xi32, #tpu.memory_space<vmem>>
    %dma_start3A_74 = tpu.memref_squeeze %dma_start3A_73 : memref<1x128xi32, #tpu.memory_space<vmem>> -> memref<128xi32, #tpu.memory_space<vmem>>
    %dma_start3A_75 = tpu.memref_slice %arg3[%add3A_66] : memref<651264xi32, #tpu.memory_space<hbm>> -> memref<128xi32, #tpu.memory_space<hbm>>
    tpu.enqueue_dma source(%dma_start3A_75 : memref<128xi32, #tpu.memory_space<hbm>>) target(%dma_start3A_74 : memref<128xi32, #tpu.memory_space<vmem>>) target_semaphore(%arg16 : memref<!tpu.dma_semaphore, #tpu.memory_space<semaphore_mem>>)
    %add3A_76 = arith.constant 256 : i32
    %add3A_77 = arith.addi %mul3A_4, %add3A_76 : i32
    %dma_start3A_78 = arith.constant 2 : i32
    %dma_start3A_79 = arith.constant 0 : i32
    %dma_start3A_80 = tpu.memref_slice %arg7[%dma_start3A_78, %dma_start3A_79] : memref<3x128xi32, #tpu.memory_space<vmem>> -> memref<1x128xi32, #tpu.memory_space<vmem>>
    %dma_start3A_81 = tpu.memref_squeeze %dma_start3A_80 : memref<1x128xi32, #tpu.memory_space<vmem>> -> memref<128xi32, #tpu.memory_space<vmem>>
    %dma_start3A_82 = tpu.memref_slice %arg4[%add3A_77] : memref<325632xi32, #tpu.memory_space<hbm>> -> memref<128xi32, #tpu.memory_space<hbm>>
    %dma_start3A_83 = arith.constant 0 : i32
    %dma_start3A_84 = tpu.memref_slice %arg7[%dma_start3A_78, %dma_start3A_83] : memref<3x128xi32, #tpu.memory_space<vmem>> -> memref<1x128xi32, #tpu.memory_space<vmem>>
    %dma_start3A_85 = tpu.memref_squeeze %dma_start3A_84 : memref<1x128xi32, #tpu.memory_space<vmem>> -> memref<128xi32, #tpu.memory_space<vmem>>
    %dma_start3A_86 = tpu.memref_slice %arg4[%add3A_77] : memref<325632xi32, #tpu.memory_space<hbm>> -> memref<128xi32, #tpu.memory_space<hbm>>
    tpu.enqueue_dma source(%dma_start3A_86 : memref<128xi32, #tpu.memory_space<hbm>>) target(%dma_start3A_85 : memref<128xi32, #tpu.memory_space<vmem>>) target_semaphore(%arg16 : memref<!tpu.dma_semaphore, #tpu.memory_space<semaphore_mem>>)
    %dma_wait3A = arith.constant 0 : i32
    %dma_wait3A_87 = arith.constant 0 : i32
    %dma_wait3A_88 = tpu.memref_slice %arg6[%dma_wait3A, %dma_wait3A_87] : memref<3x128xi32, #tpu.memory_space<vmem>> -> memref<1x128xi32, #tpu.memory_space<vmem>>
    %dma_wait3A_89 = tpu.memref_squeeze %dma_wait3A_88 : memref<1x128xi32, #tpu.memory_space<vmem>> -> memref<128xi32, #tpu.memory_space<vmem>>
    %dma_wait3A_90 = tpu.memref_slice %arg3[%add3A] : memref<651264xi32, #tpu.memory_space<hbm>> -> memref<128xi32, #tpu.memory_space<hbm>>
    %dma_wait3A_91 = arith.constant 0 : i32
    %dma_wait3A_92 = tpu.memref_slice %arg6[%dma_wait3A, %dma_wait3A_91] : memref<3x128xi32, #tpu.memory_space<vmem>> -> memref<1x128xi32, #tpu.memory_space<vmem>>
    %dma_wait3A_93 = tpu.memref_squeeze %dma_wait3A_92 : memref<1x128xi32, #tpu.memory_space<vmem>> -> memref<128xi32, #tpu.memory_space<vmem>>
    %dma_wait3A_94 = tpu.memref_slice %arg3[%add3A] : memref<651264xi32, #tpu.memory_space<hbm>> -> memref<128xi32, #tpu.memory_space<hbm>>
    tpu.wait_dma2 semaphore(%arg14 : memref<!tpu.dma_semaphore, #tpu.memory_space<semaphore_mem>>) src(%dma_wait3A_94 : memref<128xi32, #tpu.memory_space<hbm>>) dst(%dma_wait3A_93 : memref<128xi32, #tpu.memory_space<vmem>>)
    %dma_wait3A_95 = arith.constant 0 : i32
    %dma_wait3A_96 = arith.constant 0 : i32
    %dma_wait3A_97 = tpu.memref_slice %arg7[%dma_wait3A_95, %dma_wait3A_96] : memref<3x128xi32, #tpu.memory_space<vmem>> -> memref<1x128xi32, #tpu.memory_space<vmem>>
    %dma_wait3A_98 = tpu.memref_squeeze %dma_wait3A_97 : memref<1x128xi32, #tpu.memory_space<vmem>> -> memref<128xi32, #tpu.memory_space<vmem>>
    %dma_wait3A_99 = tpu.memref_slice %arg4[%mul3A_4] : memref<325632xi32, #tpu.memory_space<hbm>> -> memref<128xi32, #tpu.memory_space<hbm>>
    %dma_wait3A_100 = arith.constant 0 : i32
    %dma_wait3A_101 = tpu.memref_slice %arg7[%dma_wait3A_95, %dma_wait3A_100] : memref<3x128xi32, #tpu.memory_space<vmem>> -> memref<1x128xi32, #tpu.memory_space<vmem>>
    %dma_wait3A_102 = tpu.memref_squeeze %dma_wait3A_101 : memref<1x128xi32, #tpu.memory_space<vmem>> -> memref<128xi32, #tpu.memory_space<vmem>>
    %dma_wait3A_103 = tpu.memref_slice %arg4[%mul3A_4] : memref<325632xi32, #tpu.memory_space<hbm>> -> memref<128xi32, #tpu.memory_space<hbm>>
    tpu.wait_dma2 semaphore(%arg14 : memref<!tpu.dma_semaphore, #tpu.memory_space<semaphore_mem>>) src(%dma_wait3A_103 : memref<128xi32, #tpu.memory_space<hbm>>) dst(%dma_wait3A_102 : memref<128xi32, #tpu.memory_space<vmem>>)
    %dma_start3A_104 = arith.constant 0 : i32
    %dma_start3A_105 = arith.constant 0 : i32
    %dma_start3A_106 = arith.constant 0 : i32
    %dma_start3A_107 = arith.constant 0 : i32
    %dma_start3A_108 = tpu.memref_slice %arg8[%dma_start3A_105, %dma_start3A_106, %dma_start3A_107] : memref<3x128x128xf32, #tpu.memory_space<vmem>> -> memref<1x128x128xf32, #tpu.memory_space<vmem>>
    %dma_start3A_109 = tpu.memref_squeeze %dma_start3A_108 : memref<1x128x128xf32, #tpu.memory_space<vmem>> -> memref<128x128xf32, #tpu.memory_space<vmem>>
    %dma_start3A_110 = arith.constant 0 : i32
    %dma_start3A_111 = tpu.memref_slice %arg6[%dma_start3A_104, %dma_start3A_110] : memref<3x128xi32, #tpu.memory_space<vmem>> -> memref<1x128xi32, #tpu.memory_space<vmem>>
    %dma_start3A_112 = tpu.memref_squeeze %dma_start3A_111 : memref<1x128xi32, #tpu.memory_space<vmem>> -> memref<128xi32, #tpu.memory_space<vmem>>
    %dma_start3A_113 = arith.constant 0 : i32
    %dma_start3A_114 = arith.constant 0 : i32
    %dma_start3A_115 = tpu.memref_slice %arg2[%dma_start3A_113, %dma_start3A_114] : memref<20000x128xf32, #tpu.memory_space<hbm>> -> memref<20000x128xf32, #tpu.memory_space<hbm>>
    tpu.enqueue_indirect_dma source(%dma_start3A_115 : memref<20000x128xf32, #tpu.memory_space<hbm>>) target(%dma_start3A_109 : memref<128x128xf32, #tpu.memory_space<vmem>>) offsets(%dma_start3A_112 : memref<128xi32, #tpu.memory_space<vmem>>) semaphore(%arg10 : memref<!tpu.dma_semaphore, #tpu.memory_space<semaphore_mem>>)
    %dma_wait3A_116 = arith.constant 1 : i32
    %dma_wait3A_117 = arith.constant 0 : i32
    %dma_wait3A_118 = tpu.memref_slice %arg6[%dma_wait3A_116, %dma_wait3A_117] : memref<3x128xi32, #tpu.memory_space<vmem>> -> memref<1x128xi32, #tpu.memory_space<vmem>>
    %dma_wait3A_119 = tpu.memref_squeeze %dma_wait3A_118 : memref<1x128xi32, #tpu.memory_space<vmem>> -> memref<128xi32, #tpu.memory_space<vmem>>
    %dma_wait3A_120 = tpu.memref_slice %arg3[%add3A] : memref<651264xi32, #tpu.memory_space<hbm>> -> memref<128xi32, #tpu.memory_space<hbm>>
    %dma_wait3A_121 = arith.constant 0 : i32
    %dma_wait3A_122 = tpu.memref_slice %arg6[%dma_wait3A_116, %dma_wait3A_121] : memref<3x128xi32, #tpu.memory_space<vmem>> -> memref<1x128xi32, #tpu.memory_space<vmem>>
    %dma_wait3A_123 = tpu.memref_squeeze %dma_wait3A_122 : memref<1x128xi32, #tpu.memory_space<vmem>> -> memref<128xi32, #tpu.memory_space<vmem>>
    %dma_wait3A_124 = tpu.memref_slice %arg3[%add3A] : memref<651264xi32, #tpu.memory_space<hbm>> -> memref<128xi32, #tpu.memory_space<hbm>>
    tpu.wait_dma2 semaphore(%arg15 : memref<!tpu.dma_semaphore, #tpu.memory_space<semaphore_mem>>) src(%dma_wait3A_124 : memref<128xi32, #tpu.memory_space<hbm>>) dst(%dma_wait3A_123 : memref<128xi32, #tpu.memory_space<vmem>>)
    %dma_wait3A_125 = arith.constant 1 : i32
    %dma_wait3A_126 = arith.constant 0 : i32
    %dma_wait3A_127 = tpu.memref_slice %arg7[%dma_wait3A_125, %dma_wait3A_126] : memref<3x128xi32, #tpu.memory_space<vmem>> -> memref<1x128xi32, #tpu.memory_space<vmem>>
    %dma_wait3A_128 = tpu.memref_squeeze %dma_wait3A_127 : memref<1x128xi32, #tpu.memory_space<vmem>> -> memref<128xi32, #tpu.memory_space<vmem>>
    %dma_wait3A_129 = tpu.memref_slice %arg4[%mul3A_4] : memref<325632xi32, #tpu.memory_space<hbm>> -> memref<128xi32, #tpu.memory_space<hbm>>
    %dma_wait3A_130 = arith.constant 0 : i32
    %dma_wait3A_131 = tpu.memref_slice %arg7[%dma_wait3A_125, %dma_wait3A_130] : memref<3x128xi32, #tpu.memory_space<vmem>> -> memref<1x128xi32, #tpu.memory_space<vmem>>
    %dma_wait3A_132 = tpu.memref_squeeze %dma_wait3A_131 : memref<1x128xi32, #tpu.memory_space<vmem>> -> memref<128xi32, #tpu.memory_space<vmem>>
    %dma_wait3A_133 = tpu.memref_slice %arg4[%mul3A_4] : memref<325632xi32, #tpu.memory_space<hbm>> -> memref<128xi32, #tpu.memory_space<hbm>>
    tpu.wait_dma2 semaphore(%arg15 : memref<!tpu.dma_semaphore, #tpu.memory_space<semaphore_mem>>) src(%dma_wait3A_133 : memref<128xi32, #tpu.memory_space<hbm>>) dst(%dma_wait3A_132 : memref<128xi32, #tpu.memory_space<vmem>>)
    %dma_start3A_134 = arith.constant 1 : i32
    %dma_start3A_135 = arith.constant 1 : i32
    %dma_start3A_136 = arith.constant 0 : i32
    %dma_start3A_137 = arith.constant 0 : i32
    %dma_start3A_138 = tpu.memref_slice %arg8[%dma_start3A_135, %dma_start3A_136, %dma_start3A_137] : memref<3x128x128xf32, #tpu.memory_space<vmem>> -> memref<1x128x128xf32, #tpu.memory_space<vmem>>
    %dma_start3A_139 = tpu.memref_squeeze %dma_start3A_138 : memref<1x128x128xf32, #tpu.memory_space<vmem>> -> memref<128x128xf32, #tpu.memory_space<vmem>>
    %dma_start3A_140 = arith.constant 0 : i32
    %dma_start3A_141 = tpu.memref_slice %arg6[%dma_start3A_134, %dma_start3A_140] : memref<3x128xi32, #tpu.memory_space<vmem>> -> memref<1x128xi32, #tpu.memory_space<vmem>>
    %dma_start3A_142 = tpu.memref_squeeze %dma_start3A_141 : memref<1x128xi32, #tpu.memory_space<vmem>> -> memref<128xi32, #tpu.memory_space<vmem>>
    %dma_start3A_143 = arith.constant 0 : i32
    %dma_start3A_144 = arith.constant 0 : i32
    %dma_start3A_145 = tpu.memref_slice %arg2[%dma_start3A_143, %dma_start3A_144] : memref<20000x128xf32, #tpu.memory_space<hbm>> -> memref<20000x128xf32, #tpu.memory_space<hbm>>
    tpu.enqueue_indirect_dma source(%dma_start3A_145 : memref<20000x128xf32, #tpu.memory_space<hbm>>) target(%dma_start3A_139 : memref<128x128xf32, #tpu.memory_space<vmem>>) offsets(%dma_start3A_142 : memref<128xi32, #tpu.memory_space<vmem>>) semaphore(%arg11 : memref<!tpu.dma_semaphore, #tpu.memory_space<semaphore_mem>>)
    %scan3A_146 = arith.constant 0 : i32
    %scan3A_147 = arith.constant 52 : i32
    %scan3A_148 = arith.addi %scan3A_146, %scan3A_147 : i32
    %scan3A_149 = arith.constant 1 : i32
    scf.for %scan3A_305 = %scan3A_146 to %scan3A_148 step %scan3A_149  : i32 {
      %mul3A_306 = arith.constant 1 : i32
      %mul3A_307 = arith.muli %scan3A_305, %mul3A_306 : i32
      %add3A_308 = arith.constant 0 : i32
      %add3A_309 = arith.addi %add3A_308, %mul3A_307 : i32
      %mul3A_310 = arith.constant 3 : i32
      %mul3A_311 = arith.muli %add3A_309, %mul3A_310 : i32
      %add3A_312 = arith.constant 0 : i32
      %add3A_313 = arith.addi %mul3A_311, %add3A_312 : i32
      %dma_wait3A_314 = arith.constant 2 : i32
      %dma_wait3A_315 = arith.constant 0 : i32
      %dma_wait3A_316 = tpu.memref_slice %arg6[%dma_wait3A_314, %dma_wait3A_315] : memref<3x128xi32, #tpu.memory_space<vmem>> -> memref<1x128xi32, #tpu.memory_space<vmem>>
      %dma_wait3A_317 = tpu.memref_squeeze %dma_wait3A_316 : memref<1x128xi32, #tpu.memory_space<vmem>> -> memref<128xi32, #tpu.memory_space<vmem>>
      %dma_wait3A_318 = tpu.memref_slice %arg3[%add3A] : memref<651264xi32, #tpu.memory_space<hbm>> -> memref<128xi32, #tpu.memory_space<hbm>>
      %dma_wait3A_319 = arith.constant 0 : i32
      %dma_wait3A_320 = tpu.memref_slice %arg6[%dma_wait3A_314, %dma_wait3A_319] : memref<3x128xi32, #tpu.memory_space<vmem>> -> memref<1x128xi32, #tpu.memory_space<vmem>>
      %dma_wait3A_321 = tpu.memref_squeeze %dma_wait3A_320 : memref<1x128xi32, #tpu.memory_space<vmem>> -> memref<128xi32, #tpu.memory_space<vmem>>
      %dma_wait3A_322 = tpu.memref_slice %arg3[%add3A] : memref<651264xi32, #tpu.memory_space<hbm>> -> memref<128xi32, #tpu.memory_space<hbm>>
      tpu.wait_dma2 semaphore(%arg16 : memref<!tpu.dma_semaphore, #tpu.memory_space<semaphore_mem>>) src(%dma_wait3A_322 : memref<128xi32, #tpu.memory_space<hbm>>) dst(%dma_wait3A_321 : memref<128xi32, #tpu.memory_space<vmem>>)
      %dma_wait3A_323 = arith.constant 2 : i32
      %dma_wait3A_324 = arith.constant 0 : i32
      %dma_wait3A_325 = tpu.memref_slice %arg7[%dma_wait3A_323, %dma_wait3A_324] : memref<3x128xi32, #tpu.memory_space<vmem>> -> memref<1x128xi32, #tpu.memory_space<vmem>>
      %dma_wait3A_326 = tpu.memref_squeeze %dma_wait3A_325 : memref<1x128xi32, #tpu.memory_space<vmem>> -> memref<128xi32, #tpu.memory_space<vmem>>
      %dma_wait3A_327 = tpu.memref_slice %arg4[%mul3A_4] : memref<325632xi32, #tpu.memory_space<hbm>> -> memref<128xi32, #tpu.memory_space<hbm>>
      %dma_wait3A_328 = arith.constant 0 : i32
      %dma_wait3A_329 = tpu.memref_slice %arg7[%dma_wait3A_323, %dma_wait3A_328] : memref<3x128xi32, #tpu.memory_space<vmem>> -> memref<1x128xi32, #tpu.memory_space<vmem>>
      %dma_wait3A_330 = tpu.memref_squeeze %dma_wait3A_329 : memref<1x128xi32, #tpu.memory_space<vmem>> -> memref<128xi32, #tpu.memory_space<vmem>>
      %dma_wait3A_331 = tpu.memref_slice %arg4[%mul3A_4] : memref<325632xi32, #tpu.memory_space<hbm>> -> memref<128xi32, #tpu.memory_space<hbm>>
      tpu.wait_dma2 semaphore(%arg16 : memref<!tpu.dma_semaphore, #tpu.memory_space<semaphore_mem>>) src(%dma_wait3A_331 : memref<128xi32, #tpu.memory_space<hbm>>) dst(%dma_wait3A_330 : memref<128xi32, #tpu.memory_space<vmem>>)
      %dma_start3A_332 = arith.constant 2 : i32
      %dma_start3A_333 = arith.constant 2 : i32
      %dma_start3A_334 = arith.constant 0 : i32
      %dma_start3A_335 = arith.constant 0 : i32
      %dma_start3A_336 = tpu.memref_slice %arg8[%dma_start3A_333, %dma_start3A_334, %dma_start3A_335] : memref<3x128x128xf32, #tpu.memory_space<vmem>> -> memref<1x128x128xf32, #tpu.memory_space<vmem>>
      %dma_start3A_337 = tpu.memref_squeeze %dma_start3A_336 : memref<1x128x128xf32, #tpu.memory_space<vmem>> -> memref<128x128xf32, #tpu.memory_space<vmem>>
      %dma_start3A_338 = arith.constant 0 : i32
      %dma_start3A_339 = tpu.memref_slice %arg6[%dma_start3A_332, %dma_start3A_338] : memref<3x128xi32, #tpu.memory_space<vmem>> -> memref<1x128xi32, #tpu.memory_space<vmem>>
      %dma_start3A_340 = tpu.memref_squeeze %dma_start3A_339 : memref<1x128xi32, #tpu.memory_space<vmem>> -> memref<128xi32, #tpu.memory_space<vmem>>
      %dma_start3A_341 = arith.constant 0 : i32
      %dma_start3A_342 = arith.constant 0 : i32
      %dma_start3A_343 = tpu.memref_slice %arg2[%dma_start3A_341, %dma_start3A_342] : memref<20000x128xf32, #tpu.memory_space<hbm>> -> memref<20000x128xf32, #tpu.memory_space<hbm>>
      tpu.enqueue_indirect_dma source(%dma_start3A_343 : memref<20000x128xf32, #tpu.memory_space<hbm>>) target(%dma_start3A_337 : memref<128x128xf32, #tpu.memory_space<vmem>>) offsets(%dma_start3A_340 : memref<128xi32, #tpu.memory_space<vmem>>) semaphore(%arg12 : memref<!tpu.dma_semaphore, #tpu.memory_space<semaphore_mem>>)
      %dma_wait3A_344 = arith.constant 0 : i32
      %dma_wait3A_345 = arith.constant 0 : i32
      %dma_wait3A_346 = arith.constant 0 : i32
      %dma_wait3A_347 = arith.constant 0 : i32
      %dma_wait3A_348 = tpu.memref_slice %arg8[%dma_wait3A_345, %dma_wait3A_346, %dma_wait3A_347] : memref<3x128x128xf32, #tpu.memory_space<vmem>> -> memref<1x128x128xf32, #tpu.memory_space<vmem>>
      %dma_wait3A_349 = tpu.memref_squeeze %dma_wait3A_348 : memref<1x128x128xf32, #tpu.memory_space<vmem>> -> memref<128x128xf32, #tpu.memory_space<vmem>>
      %dma_wait3A_350 = arith.constant 0 : i32
      %dma_wait3A_351 = tpu.memref_slice %arg6[%dma_wait3A_344, %dma_wait3A_350] : memref<3x128xi32, #tpu.memory_space<vmem>> -> memref<1x128xi32, #tpu.memory_space<vmem>>
      %dma_wait3A_352 = tpu.memref_squeeze %dma_wait3A_351 : memref<1x128xi32, #tpu.memory_space<vmem>> -> memref<128xi32, #tpu.memory_space<vmem>>
      %dma_wait3A_353 = arith.constant 0 : i32
      %dma_wait3A_354 = arith.constant 0 : i32
      %dma_wait3A_355 = tpu.memref_slice %arg2[%dma_wait3A_353, %dma_wait3A_354] : memref<20000x128xf32, #tpu.memory_space<hbm>> -> memref<20000x128xf32, #tpu.memory_space<hbm>>
      tpu.wait_indirect_dma semaphore(%arg10 : memref<!tpu.dma_semaphore, #tpu.memory_space<semaphore_mem>>) src(%dma_wait3A_355 : memref<20000x128xf32, #tpu.memory_space<hbm>>) dst(%dma_wait3A_349 : memref<128x128xf32, #tpu.memory_space<vmem>>)
      %dma_start3A_356 = arith.constant 0 : i32
      %dma_start3A_357 = arith.constant 0 : i32
      %dma_start3A_358 = arith.constant 0 : i32
      %dma_start3A_359 = arith.constant 0 : i32
      %dma_start3A_360 = tpu.memref_slice %arg8[%dma_start3A_356, %dma_start3A_358, %dma_start3A_359] : memref<3x128x128xf32, #tpu.memory_space<vmem>> -> memref<1x128x128xf32, #tpu.memory_space<vmem>>
      %dma_start3A_361 = tpu.memref_squeeze %dma_start3A_360 : memref<1x128x128xf32, #tpu.memory_space<vmem>> -> memref<128x128xf32, #tpu.memory_space<vmem>>
      %dma_start3A_362 = arith.constant 0 : i32
      %dma_start3A_363 = tpu.memref_slice %arg7[%dma_start3A_357, %dma_start3A_362] : memref<3x128xi32, #tpu.memory_space<vmem>> -> memref<1x128xi32, #tpu.memory_space<vmem>>
      %dma_start3A_364 = tpu.memref_squeeze %dma_start3A_363 : memref<1x128xi32, #tpu.memory_space<vmem>> -> memref<128xi32, #tpu.memory_space<vmem>>
      %dma_start3A_365 = arith.constant 0 : i32
      %dma_start3A_366 = arith.constant 0 : i32
      %dma_start3A_367 = tpu.memref_slice %arg9[%dma_start3A_365, %dma_start3A_366] : memref<10016x128xf32, #tpu.memory_space<vmem_shared>> -> memref<10016x128xf32, #tpu.memory_space<vmem_shared>>
      tpu.enqueue_indirect_dma source(%dma_start3A_361 : memref<128x128xf32, #tpu.memory_space<vmem>>) target(%dma_start3A_367 : memref<10016x128xf32, #tpu.memory_space<vmem_shared>>) offsets(%dma_start3A_364 : memref<128xi32, #tpu.memory_space<vmem>>) semaphore(%arg13 : memref<!tpu.dma_semaphore, #tpu.memory_space<semaphore_mem>>) {add = true}
      %dma_wait3A_368 = arith.constant 0 : i32
      %dma_wait3A_369 = arith.constant 0 : i32
      %dma_wait3A_370 = arith.constant 0 : i32
      %dma_wait3A_371 = arith.constant 0 : i32
      %dma_wait3A_372 = tpu.memref_slice %arg8[%dma_wait3A_368, %dma_wait3A_370, %dma_wait3A_371] : memref<3x128x128xf32, #tpu.memory_space<vmem>> -> memref<1x128x128xf32, #tpu.memory_space<vmem>>
      %dma_wait3A_373 = tpu.memref_squeeze %dma_wait3A_372 : memref<1x128x128xf32, #tpu.memory_space<vmem>> -> memref<128x128xf32, #tpu.memory_space<vmem>>
      %dma_wait3A_374 = arith.constant 0 : i32
      %dma_wait3A_375 = tpu.memref_slice %arg7[%dma_wait3A_369, %dma_wait3A_374] : memref<3x128xi32, #tpu.memory_space<vmem>> -> memref<1x128xi32, #tpu.memory_space<vmem>>
      %dma_wait3A_376 = tpu.memref_squeeze %dma_wait3A_375 : memref<1x128xi32, #tpu.memory_space<vmem>> -> memref<128xi32, #tpu.memory_space<vmem>>
      %dma_wait3A_377 = arith.constant 0 : i32
      %dma_wait3A_378 = arith.constant 0 : i32
      %dma_wait3A_379 = tpu.memref_slice %arg9[%dma_wait3A_377, %dma_wait3A_378] : memref<10016x128xf32, #tpu.memory_space<vmem_shared>> -> memref<10016x128xf32, #tpu.memory_space<vmem_shared>>
      tpu.wait_indirect_dma semaphore(%arg13 : memref<!tpu.dma_semaphore, #tpu.memory_space<semaphore_mem>>) src(%dma_wait3A_373 : memref<128x128xf32, #tpu.memory_space<vmem>>) dst(%dma_wait3A_379 : memref<10016x128xf32, #tpu.memory_space<vmem_shared>>)
      %add3A_380 = arith.constant 3 : i32
      %add3A_381 = arith.addi %add3A_313, %add3A_380 : i32
      %mul3A_382 = arith.constant 128 : i32
      %mul3A_383 = arith.muli %add3A_381, %mul3A_382 : i32
      %add3A_384 = arith.addi %add3A, %mul3A_383 : i32
      %dma_start3A_385 = arith.constant 0 : i32
      %dma_start3A_386 = arith.constant 0 : i32
      %dma_start3A_387 = tpu.memref_slice %arg6[%dma_start3A_385, %dma_start3A_386] : memref<3x128xi32, #tpu.memory_space<vmem>> -> memref<1x128xi32, #tpu.memory_space<vmem>>
      %dma_start3A_388 = tpu.memref_squeeze %dma_start3A_387 : memref<1x128xi32, #tpu.memory_space<vmem>> -> memref<128xi32, #tpu.memory_space<vmem>>
      %dma_start3A_389 = tpu.memref_slice %arg3[%add3A_384] : memref<651264xi32, #tpu.memory_space<hbm>> -> memref<128xi32, #tpu.memory_space<hbm>>
      %dma_start3A_390 = arith.constant 0 : i32
      %dma_start3A_391 = tpu.memref_slice %arg6[%dma_start3A_385, %dma_start3A_390] : memref<3x128xi32, #tpu.memory_space<vmem>> -> memref<1x128xi32, #tpu.memory_space<vmem>>
      %dma_start3A_392 = tpu.memref_squeeze %dma_start3A_391 : memref<1x128xi32, #tpu.memory_space<vmem>> -> memref<128xi32, #tpu.memory_space<vmem>>
      %dma_start3A_393 = tpu.memref_slice %arg3[%add3A_384] : memref<651264xi32, #tpu.memory_space<hbm>> -> memref<128xi32, #tpu.memory_space<hbm>>
      tpu.enqueue_dma source(%dma_start3A_393 : memref<128xi32, #tpu.memory_space<hbm>>) target(%dma_start3A_392 : memref<128xi32, #tpu.memory_space<vmem>>) target_semaphore(%arg14 : memref<!tpu.dma_semaphore, #tpu.memory_space<semaphore_mem>>)
      %mul3A_394 = arith.constant 128 : i32
      %mul3A_395 = arith.muli %add3A_381, %mul3A_394 : i32
      %add3A_396 = arith.addi %mul3A_4, %mul3A_395 : i32
      %dma_start3A_397 = arith.constant 0 : i32
      %dma_start3A_398 = arith.constant 0 : i32
      %dma_start3A_399 = tpu.memref_slice %arg7[%dma_start3A_397, %dma_start3A_398] : memref<3x128xi32, #tpu.memory_space<vmem>> -> memref<1x128xi32, #tpu.memory_space<vmem>>
      %dma_start3A_400 = tpu.memref_squeeze %dma_start3A_399 : memref<1x128xi32, #tpu.memory_space<vmem>> -> memref<128xi32, #tpu.memory_space<vmem>>
      %dma_start3A_401 = tpu.memref_slice %arg4[%add3A_396] : memref<325632xi32, #tpu.memory_space<hbm>> -> memref<128xi32, #tpu.memory_space<hbm>>
      %dma_start3A_402 = arith.constant 0 : i32
      %dma_start3A_403 = tpu.memref_slice %arg7[%dma_start3A_397, %dma_start3A_402] : memref<3x128xi32, #tpu.memory_space<vmem>> -> memref<1x128xi32, #tpu.memory_space<vmem>>
      %dma_start3A_404 = tpu.memref_squeeze %dma_start3A_403 : memref<1x128xi32, #tpu.memory_space<vmem>> -> memref<128xi32, #tpu.memory_space<vmem>>
      %dma_start3A_405 = tpu.memref_slice %arg4[%add3A_396] : memref<325632xi32, #tpu.memory_space<hbm>> -> memref<128xi32, #tpu.memory_space<hbm>>
      tpu.enqueue_dma source(%dma_start3A_405 : memref<128xi32, #tpu.memory_space<hbm>>) target(%dma_start3A_404 : memref<128xi32, #tpu.memory_space<vmem>>) target_semaphore(%arg14 : memref<!tpu.dma_semaphore, #tpu.memory_space<semaphore_mem>>)
      %mul3A_406 = arith.constant 3 : i32
      %mul3A_407 = arith.muli %add3A_309, %mul3A_406 : i32
      %add3A_408 = arith.constant 1 : i32
      %add3A_409 = arith.addi %mul3A_407, %add3A_408 : i32
      %dma_wait3A_410 = arith.constant 0 : i32
      %dma_wait3A_411 = arith.constant 0 : i32
      %dma_wait3A_412 = tpu.memref_slice %arg6[%dma_wait3A_410, %dma_wait3A_411] : memref<3x128xi32, #tpu.memory_space<vmem>> -> memref<1x128xi32, #tpu.memory_space<vmem>>
      %dma_wait3A_413 = tpu.memref_squeeze %dma_wait3A_412 : memref<1x128xi32, #tpu.memory_space<vmem>> -> memref<128xi32, #tpu.memory_space<vmem>>
      %dma_wait3A_414 = tpu.memref_slice %arg3[%add3A] : memref<651264xi32, #tpu.memory_space<hbm>> -> memref<128xi32, #tpu.memory_space<hbm>>
      %dma_wait3A_415 = arith.constant 0 : i32
      %dma_wait3A_416 = tpu.memref_slice %arg6[%dma_wait3A_410, %dma_wait3A_415] : memref<3x128xi32, #tpu.memory_space<vmem>> -> memref<1x128xi32, #tpu.memory_space<vmem>>
      %dma_wait3A_417 = tpu.memref_squeeze %dma_wait3A_416 : memref<1x128xi32, #tpu.memory_space<vmem>> -> memref<128xi32, #tpu.memory_space<vmem>>
      %dma_wait3A_418 = tpu.memref_slice %arg3[%add3A] : memref<651264xi32, #tpu.memory_space<hbm>> -> memref<128xi32, #tpu.memory_space<hbm>>
      tpu.wait_dma2 semaphore(%arg14 : memref<!tpu.dma_semaphore, #tpu.memory_space<semaphore_mem>>) src(%dma_wait3A_418 : memref<128xi32, #tpu.memory_space<hbm>>) dst(%dma_wait3A_417 : memref<128xi32, #tpu.memory_space<vmem>>)
      %dma_wait3A_419 = arith.constant 0 : i32
      %dma_wait3A_420 = arith.constant 0 : i32
      %dma_wait3A_421 = tpu.memref_slice %arg7[%dma_wait3A_419, %dma_wait3A_420] : memref<3x128xi32, #tpu.memory_space<vmem>> -> memref<1x128xi32, #tpu.memory_space<vmem>>
      %dma_wait3A_422 = tpu.memref_squeeze %dma_wait3A_421 : memref<1x128xi32, #tpu.memory_space<vmem>> -> memref<128xi32, #tpu.memory_space<vmem>>
      %dma_wait3A_423 = tpu.memref_slice %arg4[%mul3A_4] : memref<325632xi32, #tpu.memory_space<hbm>> -> memref<128xi32, #tpu.memory_space<hbm>>
      %dma_wait3A_424 = arith.constant 0 : i32
      %dma_wait3A_425 = tpu.memref_slice %arg7[%dma_wait3A_419, %dma_wait3A_424] : memref<3x128xi32, #tpu.memory_space<vmem>> -> memref<1x128xi32, #tpu.memory_space<vmem>>
      %dma_wait3A_426 = tpu.memref_squeeze %dma_wait3A_425 : memref<1x128xi32, #tpu.memory_space<vmem>> -> memref<128xi32, #tpu.memory_space<vmem>>
      %dma_wait3A_427 = tpu.memref_slice %arg4[%mul3A_4] : memref<325632xi32, #tpu.memory_space<hbm>> -> memref<128xi32, #tpu.memory_space<hbm>>
      tpu.wait_dma2 semaphore(%arg14 : memref<!tpu.dma_semaphore, #tpu.memory_space<semaphore_mem>>) src(%dma_wait3A_427 : memref<128xi32, #tpu.memory_space<hbm>>) dst(%dma_wait3A_426 : memref<128xi32, #tpu.memory_space<vmem>>)
      %dma_start3A_428 = arith.constant 0 : i32
      %dma_start3A_429 = arith.constant 0 : i32
      %dma_start3A_430 = arith.constant 0 : i32
      %dma_start3A_431 = arith.constant 0 : i32
      %dma_start3A_432 = tpu.memref_slice %arg8[%dma_start3A_429, %dma_start3A_430, %dma_start3A_431] : memref<3x128x128xf32, #tpu.memory_space<vmem>> -> memref<1x128x128xf32, #tpu.memory_space<vmem>>
      %dma_start3A_433 = tpu.memref_squeeze %dma_start3A_432 : memref<1x128x128xf32, #tpu.memory_space<vmem>> -> memref<128x128xf32, #tpu.memory_space<vmem>>
      %dma_start3A_434 = arith.constant 0 : i32
      %dma_start3A_435 = tpu.memref_slice %arg6[%dma_start3A_428, %dma_start3A_434] : memref<3x128xi32, #tpu.memory_space<vmem>> -> memref<1x128xi32, #tpu.memory_space<vmem>>
      %dma_start3A_436 = tpu.memref_squeeze %dma_start3A_435 : memref<1x128xi32, #tpu.memory_space<vmem>> -> memref<128xi32, #tpu.memory_space<vmem>>
      %dma_start3A_437 = arith.constant 0 : i32
      %dma_start3A_438 = arith.constant 0 : i32
      %dma_start3A_439 = tpu.memref_slice %arg2[%dma_start3A_437, %dma_start3A_438] : memref<20000x128xf32, #tpu.memory_space<hbm>> -> memref<20000x128xf32, #tpu.memory_space<hbm>>
      tpu.enqueue_indirect_dma source(%dma_start3A_439 : memref<20000x128xf32, #tpu.memory_space<hbm>>) target(%dma_start3A_433 : memref<128x128xf32, #tpu.memory_space<vmem>>) offsets(%dma_start3A_436 : memref<128xi32, #tpu.memory_space<vmem>>) semaphore(%arg10 : memref<!tpu.dma_semaphore, #tpu.memory_space<semaphore_mem>>)
      %dma_wait3A_440 = arith.constant 1 : i32
      %dma_wait3A_441 = arith.constant 1 : i32
      %dma_wait3A_442 = arith.constant 0 : i32
      %dma_wait3A_443 = arith.constant 0 : i32
      %dma_wait3A_444 = tpu.memref_slice %arg8[%dma_wait3A_441, %dma_wait3A_442, %dma_wait3A_443] : memref<3x128x128xf32, #tpu.memory_space<vmem>> -> memref<1x128x128xf32, #tpu.memory_space<vmem>>
      %dma_wait3A_445 = tpu.memref_squeeze %dma_wait3A_444 : memref<1x128x128xf32, #tpu.memory_space<vmem>> -> memref<128x128xf32, #tpu.memory_space<vmem>>
      %dma_wait3A_446 = arith.constant 0 : i32
      %dma_wait3A_447 = tpu.memref_slice %arg6[%dma_wait3A_440, %dma_wait3A_446] : memref<3x128xi32, #tpu.memory_space<vmem>> -> memref<1x128xi32, #tpu.memory_space<vmem>>
      %dma_wait3A_448 = tpu.memref_squeeze %dma_wait3A_447 : memref<1x128xi32, #tpu.memory_space<vmem>> -> memref<128xi32, #tpu.memory_space<vmem>>
      %dma_wait3A_449 = arith.constant 0 : i32
      %dma_wait3A_450 = arith.constant 0 : i32
      %dma_wait3A_451 = tpu.memref_slice %arg2[%dma_wait3A_449, %dma_wait3A_450] : memref<20000x128xf32, #tpu.memory_space<hbm>> -> memref<20000x128xf32, #tpu.memory_space<hbm>>
      tpu.wait_indirect_dma semaphore(%arg11 : memref<!tpu.dma_semaphore, #tpu.memory_space<semaphore_mem>>) src(%dma_wait3A_451 : memref<20000x128xf32, #tpu.memory_space<hbm>>) dst(%dma_wait3A_445 : memref<128x128xf32, #tpu.memory_space<vmem>>)
      %dma_start3A_452 = arith.constant 1 : i32
      %dma_start3A_453 = arith.constant 1 : i32
      %dma_start3A_454 = arith.constant 0 : i32
      %dma_start3A_455 = arith.constant 0 : i32
      %dma_start3A_456 = tpu.memref_slice %arg8[%dma_start3A_452, %dma_start3A_454, %dma_start3A_455] : memref<3x128x128xf32, #tpu.memory_space<vmem>> -> memref<1x128x128xf32, #tpu.memory_space<vmem>>
      %dma_start3A_457 = tpu.memref_squeeze %dma_start3A_456 : memref<1x128x128xf32, #tpu.memory_space<vmem>> -> memref<128x128xf32, #tpu.memory_space<vmem>>
      %dma_start3A_458 = arith.constant 0 : i32
      %dma_start3A_459 = tpu.memref_slice %arg7[%dma_start3A_453, %dma_start3A_458] : memref<3x128xi32, #tpu.memory_space<vmem>> -> memref<1x128xi32, #tpu.memory_space<vmem>>
      %dma_start3A_460 = tpu.memref_squeeze %dma_start3A_459 : memref<1x128xi32, #tpu.memory_space<vmem>> -> memref<128xi32, #tpu.memory_space<vmem>>
      %dma_start3A_461 = arith.constant 0 : i32
      %dma_start3A_462 = arith.constant 0 : i32
      %dma_start3A_463 = tpu.memref_slice %arg9[%dma_start3A_461, %dma_start3A_462] : memref<10016x128xf32, #tpu.memory_space<vmem_shared>> -> memref<10016x128xf32, #tpu.memory_space<vmem_shared>>
      tpu.enqueue_indirect_dma source(%dma_start3A_457 : memref<128x128xf32, #tpu.memory_space<vmem>>) target(%dma_start3A_463 : memref<10016x128xf32, #tpu.memory_space<vmem_shared>>) offsets(%dma_start3A_460 : memref<128xi32, #tpu.memory_space<vmem>>) semaphore(%arg13 : memref<!tpu.dma_semaphore, #tpu.memory_space<semaphore_mem>>) {add = true}
      %dma_wait3A_464 = arith.constant 1 : i32
      %dma_wait3A_465 = arith.constant 1 : i32
      %dma_wait3A_466 = arith.constant 0 : i32
      %dma_wait3A_467 = arith.constant 0 : i32
      %dma_wait3A_468 = tpu.memref_slice %arg8[%dma_wait3A_464, %dma_wait3A_466, %dma_wait3A_467] : memref<3x128x128xf32, #tpu.memory_space<vmem>> -> memref<1x128x128xf32, #tpu.memory_space<vmem>>
      %dma_wait3A_469 = tpu.memref_squeeze %dma_wait3A_468 : memref<1x128x128xf32, #tpu.memory_space<vmem>> -> memref<128x128xf32, #tpu.memory_space<vmem>>
      %dma_wait3A_470 = arith.constant 0 : i32
      %dma_wait3A_471 = tpu.memref_slice %arg7[%dma_wait3A_465, %dma_wait3A_470] : memref<3x128xi32, #tpu.memory_space<vmem>> -> memref<1x128xi32, #tpu.memory_space<vmem>>
      %dma_wait3A_472 = tpu.memref_squeeze %dma_wait3A_471 : memref<1x128xi32, #tpu.memory_space<vmem>> -> memref<128xi32, #tpu.memory_space<vmem>>
      %dma_wait3A_473 = arith.constant 0 : i32
      %dma_wait3A_474 = arith.constant 0 : i32
      %dma_wait3A_475 = tpu.memref_slice %arg9[%dma_wait3A_473, %dma_wait3A_474] : memref<10016x128xf32, #tpu.memory_space<vmem_shared>> -> memref<10016x128xf32, #tpu.memory_space<vmem_shared>>
      tpu.wait_indirect_dma semaphore(%arg13 : memref<!tpu.dma_semaphore, #tpu.memory_space<semaphore_mem>>) src(%dma_wait3A_469 : memref<128x128xf32, #tpu.memory_space<vmem>>) dst(%dma_wait3A_475 : memref<10016x128xf32, #tpu.memory_space<vmem_shared>>)
      %add3A_476 = arith.constant 3 : i32
      %add3A_477 = arith.addi %add3A_409, %add3A_476 : i32
      %mul3A_478 = arith.constant 128 : i32
      %mul3A_479 = arith.muli %add3A_477, %mul3A_478 : i32
      %add3A_480 = arith.addi %add3A, %mul3A_479 : i32
      %dma_start3A_481 = arith.constant 1 : i32
      %dma_start3A_482 = arith.constant 0 : i32
      %dma_start3A_483 = tpu.memref_slice %arg6[%dma_start3A_481, %dma_start3A_482] : memref<3x128xi32, #tpu.memory_space<vmem>> -> memref<1x128xi32, #tpu.memory_space<vmem>>
      %dma_start3A_484 = tpu.memref_squeeze %dma_start3A_483 : memref<1x128xi32, #tpu.memory_space<vmem>> -> memref<128xi32, #tpu.memory_space<vmem>>
      %dma_start3A_485 = tpu.memref_slice %arg3[%add3A_480] : memref<651264xi32, #tpu.memory_space<hbm>> -> memref<128xi32, #tpu.memory_space<hbm>>
      %dma_start3A_486 = arith.constant 0 : i32
      %dma_start3A_487 = tpu.memref_slice %arg6[%dma_start3A_481, %dma_start3A_486] : memref<3x128xi32, #tpu.memory_space<vmem>> -> memref<1x128xi32, #tpu.memory_space<vmem>>
      %dma_start3A_488 = tpu.memref_squeeze %dma_start3A_487 : memref<1x128xi32, #tpu.memory_space<vmem>> -> memref<128xi32, #tpu.memory_space<vmem>>
      %dma_start3A_489 = tpu.memref_slice %arg3[%add3A_480] : memref<651264xi32, #tpu.memory_space<hbm>> -> memref<128xi32, #tpu.memory_space<hbm>>
      tpu.enqueue_dma source(%dma_start3A_489 : memref<128xi32, #tpu.memory_space<hbm>>) target(%dma_start3A_488 : memref<128xi32, #tpu.memory_space<vmem>>) target_semaphore(%arg15 : memref<!tpu.dma_semaphore, #tpu.memory_space<semaphore_mem>>)
      %mul3A_490 = arith.constant 128 : i32
      %mul3A_491 = arith.muli %add3A_477, %mul3A_490 : i32
      %add3A_492 = arith.addi %mul3A_4, %mul3A_491 : i32
      %dma_start3A_493 = arith.constant 1 : i32
      %dma_start3A_494 = arith.constant 0 : i32
      %dma_start3A_495 = tpu.memref_slice %arg7[%dma_start3A_493, %dma_start3A_494] : memref<3x128xi32, #tpu.memory_space<vmem>> -> memref<1x128xi32, #tpu.memory_space<vmem>>
      %dma_start3A_496 = tpu.memref_squeeze %dma_start3A_495 : memref<1x128xi32, #tpu.memory_space<vmem>> -> memref<128xi32, #tpu.memory_space<vmem>>
      %dma_start3A_497 = tpu.memref_slice %arg4[%add3A_492] : memref<325632xi32, #tpu.memory_space<hbm>> -> memref<128xi32, #tpu.memory_space<hbm>>
      %dma_start3A_498 = arith.constant 0 : i32
      %dma_start3A_499 = tpu.memref_slice %arg7[%dma_start3A_493, %dma_start3A_498] : memref<3x128xi32, #tpu.memory_space<vmem>> -> memref<1x128xi32, #tpu.memory_space<vmem>>
      %dma_start3A_500 = tpu.memref_squeeze %dma_start3A_499 : memref<1x128xi32, #tpu.memory_space<vmem>> -> memref<128xi32, #tpu.memory_space<vmem>>
      %dma_start3A_501 = tpu.memref_slice %arg4[%add3A_492] : memref<325632xi32, #tpu.memory_space<hbm>> -> memref<128xi32, #tpu.memory_space<hbm>>
      tpu.enqueue_dma source(%dma_start3A_501 : memref<128xi32, #tpu.memory_space<hbm>>) target(%dma_start3A_500 : memref<128xi32, #tpu.memory_space<vmem>>) target_semaphore(%arg15 : memref<!tpu.dma_semaphore, #tpu.memory_space<semaphore_mem>>)
      %mul3A_502 = arith.constant 3 : i32
      %mul3A_503 = arith.muli %add3A_309, %mul3A_502 : i32
      %add3A_504 = arith.constant 2 : i32
      %add3A_505 = arith.addi %mul3A_503, %add3A_504 : i32
      %dma_wait3A_506 = arith.constant 1 : i32
      %dma_wait3A_507 = arith.constant 0 : i32
      %dma_wait3A_508 = tpu.memref_slice %arg6[%dma_wait3A_506, %dma_wait3A_507] : memref<3x128xi32, #tpu.memory_space<vmem>> -> memref<1x128xi32, #tpu.memory_space<vmem>>
      %dma_wait3A_509 = tpu.memref_squeeze %dma_wait3A_508 : memref<1x128xi32, #tpu.memory_space<vmem>> -> memref<128xi32, #tpu.memory_space<vmem>>
      %dma_wait3A_510 = tpu.memref_slice %arg3[%add3A] : memref<651264xi32, #tpu.memory_space<hbm>> -> memref<128xi32, #tpu.memory_space<hbm>>
      %dma_wait3A_511 = arith.constant 0 : i32
      %dma_wait3A_512 = tpu.memref_slice %arg6[%dma_wait3A_506, %dma_wait3A_511] : memref<3x128xi32, #tpu.memory_space<vmem>> -> memref<1x128xi32, #tpu.memory_space<vmem>>
      %dma_wait3A_513 = tpu.memref_squeeze %dma_wait3A_512 : memref<1x128xi32, #tpu.memory_space<vmem>> -> memref<128xi32, #tpu.memory_space<vmem>>
      %dma_wait3A_514 = tpu.memref_slice %arg3[%add3A] : memref<651264xi32, #tpu.memory_space<hbm>> -> memref<128xi32, #tpu.memory_space<hbm>>
      tpu.wait_dma2 semaphore(%arg15 : memref<!tpu.dma_semaphore, #tpu.memory_space<semaphore_mem>>) src(%dma_wait3A_514 : memref<128xi32, #tpu.memory_space<hbm>>) dst(%dma_wait3A_513 : memref<128xi32, #tpu.memory_space<vmem>>)
      %dma_wait3A_515 = arith.constant 1 : i32
      %dma_wait3A_516 = arith.constant 0 : i32
      %dma_wait3A_517 = tpu.memref_slice %arg7[%dma_wait3A_515, %dma_wait3A_516] : memref<3x128xi32, #tpu.memory_space<vmem>> -> memref<1x128xi32, #tpu.memory_space<vmem>>
      %dma_wait3A_518 = tpu.memref_squeeze %dma_wait3A_517 : memref<1x128xi32, #tpu.memory_space<vmem>> -> memref<128xi32, #tpu.memory_space<vmem>>
      %dma_wait3A_519 = tpu.memref_slice %arg4[%mul3A_4] : memref<325632xi32, #tpu.memory_space<hbm>> -> memref<128xi32, #tpu.memory_space<hbm>>
      %dma_wait3A_520 = arith.constant 0 : i32
      %dma_wait3A_521 = tpu.memref_slice %arg7[%dma_wait3A_515, %dma_wait3A_520] : memref<3x128xi32, #tpu.memory_space<vmem>> -> memref<1x128xi32, #tpu.memory_space<vmem>>
      %dma_wait3A_522 = tpu.memref_squeeze %dma_wait3A_521 : memref<1x128xi32, #tpu.memory_space<vmem>> -> memref<128xi32, #tpu.memory_space<vmem>>
      %dma_wait3A_523 = tpu.memref_slice %arg4[%mul3A_4] : memref<325632xi32, #tpu.memory_space<hbm>> -> memref<128xi32, #tpu.memory_space<hbm>>
      tpu.wait_dma2 semaphore(%arg15 : memref<!tpu.dma_semaphore, #tpu.memory_space<semaphore_mem>>) src(%dma_wait3A_523 : memref<128xi32, #tpu.memory_space<hbm>>) dst(%dma_wait3A_522 : memref<128xi32, #tpu.memory_space<vmem>>)
      %dma_start3A_524 = arith.constant 1 : i32
      %dma_start3A_525 = arith.constant 1 : i32
      %dma_start3A_526 = arith.constant 0 : i32
      %dma_start3A_527 = arith.constant 0 : i32
      %dma_start3A_528 = tpu.memref_slice %arg8[%dma_start3A_525, %dma_start3A_526, %dma_start3A_527] : memref<3x128x128xf32, #tpu.memory_space<vmem>> -> memref<1x128x128xf32, #tpu.memory_space<vmem>>
      %dma_start3A_529 = tpu.memref_squeeze %dma_start3A_528 : memref<1x128x128xf32, #tpu.memory_space<vmem>> -> memref<128x128xf32, #tpu.memory_space<vmem>>
      %dma_start3A_530 = arith.constant 0 : i32
      %dma_start3A_531 = tpu.memref_slice %arg6[%dma_start3A_524, %dma_start3A_530] : memref<3x128xi32, #tpu.memory_space<vmem>> -> memref<1x128xi32, #tpu.memory_space<vmem>>
      %dma_start3A_532 = tpu.memref_squeeze %dma_start3A_531 : memref<1x128xi32, #tpu.memory_space<vmem>> -> memref<128xi32, #tpu.memory_space<vmem>>
      %dma_start3A_533 = arith.constant 0 : i32
      %dma_start3A_534 = arith.constant 0 : i32
      %dma_start3A_535 = tpu.memref_slice %arg2[%dma_start3A_533, %dma_start3A_534] : memref<20000x128xf32, #tpu.memory_space<hbm>> -> memref<20000x128xf32, #tpu.memory_space<hbm>>
      tpu.enqueue_indirect_dma source(%dma_start3A_535 : memref<20000x128xf32, #tpu.memory_space<hbm>>) target(%dma_start3A_529 : memref<128x128xf32, #tpu.memory_space<vmem>>) offsets(%dma_start3A_532 : memref<128xi32, #tpu.memory_space<vmem>>) semaphore(%arg11 : memref<!tpu.dma_semaphore, #tpu.memory_space<semaphore_mem>>)
      %dma_wait3A_536 = arith.constant 2 : i32
      %dma_wait3A_537 = arith.constant 2 : i32
      %dma_wait3A_538 = arith.constant 0 : i32
      %dma_wait3A_539 = arith.constant 0 : i32
      %dma_wait3A_540 = tpu.memref_slice %arg8[%dma_wait3A_537, %dma_wait3A_538, %dma_wait3A_539] : memref<3x128x128xf32, #tpu.memory_space<vmem>> -> memref<1x128x128xf32, #tpu.memory_space<vmem>>
      %dma_wait3A_541 = tpu.memref_squeeze %dma_wait3A_540 : memref<1x128x128xf32, #tpu.memory_space<vmem>> -> memref<128x128xf32, #tpu.memory_space<vmem>>
      %dma_wait3A_542 = arith.constant 0 : i32
      %dma_wait3A_543 = tpu.memref_slice %arg6[%dma_wait3A_536, %dma_wait3A_542] : memref<3x128xi32, #tpu.memory_space<vmem>> -> memref<1x128xi32, #tpu.memory_space<vmem>>
      %dma_wait3A_544 = tpu.memref_squeeze %dma_wait3A_543 : memref<1x128xi32, #tpu.memory_space<vmem>> -> memref<128xi32, #tpu.memory_space<vmem>>
      %dma_wait3A_545 = arith.constant 0 : i32
      %dma_wait3A_546 = arith.constant 0 : i32
      %dma_wait3A_547 = tpu.memref_slice %arg2[%dma_wait3A_545, %dma_wait3A_546] : memref<20000x128xf32, #tpu.memory_space<hbm>> -> memref<20000x128xf32, #tpu.memory_space<hbm>>
      tpu.wait_indirect_dma semaphore(%arg12 : memref<!tpu.dma_semaphore, #tpu.memory_space<semaphore_mem>>) src(%dma_wait3A_547 : memref<20000x128xf32, #tpu.memory_space<hbm>>) dst(%dma_wait3A_541 : memref<128x128xf32, #tpu.memory_space<vmem>>)
      %dma_start3A_548 = arith.constant 2 : i32
      %dma_start3A_549 = arith.constant 2 : i32
      %dma_start3A_550 = arith.constant 0 : i32
      %dma_start3A_551 = arith.constant 0 : i32
      %dma_start3A_552 = tpu.memref_slice %arg8[%dma_start3A_548, %dma_start3A_550, %dma_start3A_551] : memref<3x128x128xf32, #tpu.memory_space<vmem>> -> memref<1x128x128xf32, #tpu.memory_space<vmem>>
      %dma_start3A_553 = tpu.memref_squeeze %dma_start3A_552 : memref<1x128x128xf32, #tpu.memory_space<vmem>> -> memref<128x128xf32, #tpu.memory_space<vmem>>
      %dma_start3A_554 = arith.constant 0 : i32
      %dma_start3A_555 = tpu.memref_slice %arg7[%dma_start3A_549, %dma_start3A_554] : memref<3x128xi32, #tpu.memory_space<vmem>> -> memref<1x128xi32, #tpu.memory_space<vmem>>
      %dma_start3A_556 = tpu.memref_squeeze %dma_start3A_555 : memref<1x128xi32, #tpu.memory_space<vmem>> -> memref<128xi32, #tpu.memory_space<vmem>>
      %dma_start3A_557 = arith.constant 0 : i32
      %dma_start3A_558 = arith.constant 0 : i32
      %dma_start3A_559 = tpu.memref_slice %arg9[%dma_start3A_557, %dma_start3A_558] : memref<10016x128xf32, #tpu.memory_space<vmem_shared>> -> memref<10016x128xf32, #tpu.memory_space<vmem_shared>>
      tpu.enqueue_indirect_dma source(%dma_start3A_553 : memref<128x128xf32, #tpu.memory_space<vmem>>) target(%dma_start3A_559 : memref<10016x128xf32, #tpu.memory_space<vmem_shared>>) offsets(%dma_start3A_556 : memref<128xi32, #tpu.memory_space<vmem>>) semaphore(%arg13 : memref<!tpu.dma_semaphore, #tpu.memory_space<semaphore_mem>>) {add = true}
      %dma_wait3A_560 = arith.constant 2 : i32
      %dma_wait3A_561 = arith.constant 2 : i32
      %dma_wait3A_562 = arith.constant 0 : i32
      %dma_wait3A_563 = arith.constant 0 : i32
      %dma_wait3A_564 = tpu.memref_slice %arg8[%dma_wait3A_560, %dma_wait3A_562, %dma_wait3A_563] : memref<3x128x128xf32, #tpu.memory_space<vmem>> -> memref<1x128x128xf32, #tpu.memory_space<vmem>>
      %dma_wait3A_565 = tpu.memref_squeeze %dma_wait3A_564 : memref<1x128x128xf32, #tpu.memory_space<vmem>> -> memref<128x128xf32, #tpu.memory_space<vmem>>
      %dma_wait3A_566 = arith.constant 0 : i32
      %dma_wait3A_567 = tpu.memref_slice %arg7[%dma_wait3A_561, %dma_wait3A_566] : memref<3x128xi32, #tpu.memory_space<vmem>> -> memref<1x128xi32, #tpu.memory_space<vmem>>
      %dma_wait3A_568 = tpu.memref_squeeze %dma_wait3A_567 : memref<1x128xi32, #tpu.memory_space<vmem>> -> memref<128xi32, #tpu.memory_space<vmem>>
      %dma_wait3A_569 = arith.constant 0 : i32
      %dma_wait3A_570 = arith.constant 0 : i32
      %dma_wait3A_571 = tpu.memref_slice %arg9[%dma_wait3A_569, %dma_wait3A_570] : memref<10016x128xf32, #tpu.memory_space<vmem_shared>> -> memref<10016x128xf32, #tpu.memory_space<vmem_shared>>
      tpu.wait_indirect_dma semaphore(%arg13 : memref<!tpu.dma_semaphore, #tpu.memory_space<semaphore_mem>>) src(%dma_wait3A_565 : memref<128x128xf32, #tpu.memory_space<vmem>>) dst(%dma_wait3A_571 : memref<10016x128xf32, #tpu.memory_space<vmem_shared>>)
      %add3A_572 = arith.constant 3 : i32
      %add3A_573 = arith.addi %add3A_505, %add3A_572 : i32
      %mul3A_574 = arith.constant 128 : i32
      %mul3A_575 = arith.muli %add3A_573, %mul3A_574 : i32
      %add3A_576 = arith.addi %add3A, %mul3A_575 : i32
      %dma_start3A_577 = arith.constant 2 : i32
      %dma_start3A_578 = arith.constant 0 : i32
      %dma_start3A_579 = tpu.memref_slice %arg6[%dma_start3A_577, %dma_start3A_578] : memref<3x128xi32, #tpu.memory_space<vmem>> -> memref<1x128xi32, #tpu.memory_space<vmem>>
      %dma_start3A_580 = tpu.memref_squeeze %dma_start3A_579 : memref<1x128xi32, #tpu.memory_space<vmem>> -> memref<128xi32, #tpu.memory_space<vmem>>
      %dma_start3A_581 = tpu.memref_slice %arg3[%add3A_576] : memref<651264xi32, #tpu.memory_space<hbm>> -> memref<128xi32, #tpu.memory_space<hbm>>
      %dma_start3A_582 = arith.constant 0 : i32
      %dma_start3A_583 = tpu.memref_slice %arg6[%dma_start3A_577, %dma_start3A_582] : memref<3x128xi32, #tpu.memory_space<vmem>> -> memref<1x128xi32, #tpu.memory_space<vmem>>
      %dma_start3A_584 = tpu.memref_squeeze %dma_start3A_583 : memref<1x128xi32, #tpu.memory_space<vmem>> -> memref<128xi32, #tpu.memory_space<vmem>>
      %dma_start3A_585 = tpu.memref_slice %arg3[%add3A_576] : memref<651264xi32, #tpu.memory_space<hbm>> -> memref<128xi32, #tpu.memory_space<hbm>>
      tpu.enqueue_dma source(%dma_start3A_585 : memref<128xi32, #tpu.memory_space<hbm>>) target(%dma_start3A_584 : memref<128xi32, #tpu.memory_space<vmem>>) target_semaphore(%arg16 : memref<!tpu.dma_semaphore, #tpu.memory_space<semaphore_mem>>)
      %mul3A_586 = arith.constant 128 : i32
      %mul3A_587 = arith.muli %add3A_573, %mul3A_586 : i32
      %add3A_588 = arith.addi %mul3A_4, %mul3A_587 : i32
      %dma_start3A_589 = arith.constant 2 : i32
      %dma_start3A_590 = arith.constant 0 : i32
      %dma_start3A_591 = tpu.memref_slice %arg7[%dma_start3A_589, %dma_start3A_590] : memref<3x128xi32, #tpu.memory_space<vmem>> -> memref<1x128xi32, #tpu.memory_space<vmem>>
      %dma_start3A_592 = tpu.memref_squeeze %dma_start3A_591 : memref<1x128xi32, #tpu.memory_space<vmem>> -> memref<128xi32, #tpu.memory_space<vmem>>
      %dma_start3A_593 = tpu.memref_slice %arg4[%add3A_588] : memref<325632xi32, #tpu.memory_space<hbm>> -> memref<128xi32, #tpu.memory_space<hbm>>
      %dma_start3A_594 = arith.constant 0 : i32
      %dma_start3A_595 = tpu.memref_slice %arg7[%dma_start3A_589, %dma_start3A_594] : memref<3x128xi32, #tpu.memory_space<vmem>> -> memref<1x128xi32, #tpu.memory_space<vmem>>
      %dma_start3A_596 = tpu.memref_squeeze %dma_start3A_595 : memref<1x128xi32, #tpu.memory_space<vmem>> -> memref<128xi32, #tpu.memory_space<vmem>>
      %dma_start3A_597 = tpu.memref_slice %arg4[%add3A_588] : memref<325632xi32, #tpu.memory_space<hbm>> -> memref<128xi32, #tpu.memory_space<hbm>>
      tpu.enqueue_dma source(%dma_start3A_597 : memref<128xi32, #tpu.memory_space<hbm>>) target(%dma_start3A_596 : memref<128xi32, #tpu.memory_space<vmem>>) target_semaphore(%arg16 : memref<!tpu.dma_semaphore, #tpu.memory_space<semaphore_mem>>)
    }
    %scan3A_150 = arith.constant 52 : i32
    %dma_wait3A_151 = arith.constant 2 : i32
    %dma_wait3A_152 = arith.constant 0 : i32
    %dma_wait3A_153 = tpu.memref_slice %arg6[%dma_wait3A_151, %dma_wait3A_152] : memref<3x128xi32, #tpu.memory_space<vmem>> -> memref<1x128xi32, #tpu.memory_space<vmem>>
    %dma_wait3A_154 = tpu.memref_squeeze %dma_wait3A_153 : memref<1x128xi32, #tpu.memory_space<vmem>> -> memref<128xi32, #tpu.memory_space<vmem>>
    %dma_wait3A_155 = tpu.memref_slice %arg3[%add3A] : memref<651264xi32, #tpu.memory_space<hbm>> -> memref<128xi32, #tpu.memory_space<hbm>>
    %dma_wait3A_156 = arith.constant 0 : i32
    %dma_wait3A_157 = tpu.memref_slice %arg6[%dma_wait3A_151, %dma_wait3A_156] : memref<3x128xi32, #tpu.memory_space<vmem>> -> memref<1x128xi32, #tpu.memory_space<vmem>>
    %dma_wait3A_158 = tpu.memref_squeeze %dma_wait3A_157 : memref<1x128xi32, #tpu.memory_space<vmem>> -> memref<128xi32, #tpu.memory_space<vmem>>
    %dma_wait3A_159 = tpu.memref_slice %arg3[%add3A] : memref<651264xi32, #tpu.memory_space<hbm>> -> memref<128xi32, #tpu.memory_space<hbm>>
    tpu.wait_dma2 semaphore(%arg16 : memref<!tpu.dma_semaphore, #tpu.memory_space<semaphore_mem>>) src(%dma_wait3A_159 : memref<128xi32, #tpu.memory_space<hbm>>) dst(%dma_wait3A_158 : memref<128xi32, #tpu.memory_space<vmem>>)
    %dma_wait3A_160 = arith.constant 2 : i32
    %dma_wait3A_161 = arith.constant 0 : i32
    %dma_wait3A_162 = tpu.memref_slice %arg7[%dma_wait3A_160, %dma_wait3A_161] : memref<3x128xi32, #tpu.memory_space<vmem>> -> memref<1x128xi32, #tpu.memory_space<vmem>>
    %dma_wait3A_163 = tpu.memref_squeeze %dma_wait3A_162 : memref<1x128xi32, #tpu.memory_space<vmem>> -> memref<128xi32, #tpu.memory_space<vmem>>
    %dma_wait3A_164 = tpu.memref_slice %arg4[%mul3A_4] : memref<325632xi32, #tpu.memory_space<hbm>> -> memref<128xi32, #tpu.memory_space<hbm>>
    %dma_wait3A_165 = arith.constant 0 : i32
    %dma_wait3A_166 = tpu.memref_slice %arg7[%dma_wait3A_160, %dma_wait3A_165] : memref<3x128xi32, #tpu.memory_space<vmem>> -> memref<1x128xi32, #tpu.memory_space<vmem>>
    %dma_wait3A_167 = tpu.memref_squeeze %dma_wait3A_166 : memref<1x128xi32, #tpu.memory_space<vmem>> -> memref<128xi32, #tpu.memory_space<vmem>>
    %dma_wait3A_168 = tpu.memref_slice %arg4[%mul3A_4] : memref<325632xi32, #tpu.memory_space<hbm>> -> memref<128xi32, #tpu.memory_space<hbm>>
    tpu.wait_dma2 semaphore(%arg16 : memref<!tpu.dma_semaphore, #tpu.memory_space<semaphore_mem>>) src(%dma_wait3A_168 : memref<128xi32, #tpu.memory_space<hbm>>) dst(%dma_wait3A_167 : memref<128xi32, #tpu.memory_space<vmem>>)
    %dma_start3A_169 = arith.constant 2 : i32
    %dma_start3A_170 = arith.constant 2 : i32
    %dma_start3A_171 = arith.constant 0 : i32
    %dma_start3A_172 = arith.constant 0 : i32
    %dma_start3A_173 = tpu.memref_slice %arg8[%dma_start3A_170, %dma_start3A_171, %dma_start3A_172] : memref<3x128x128xf32, #tpu.memory_space<vmem>> -> memref<1x128x128xf32, #tpu.memory_space<vmem>>
    %dma_start3A_174 = tpu.memref_squeeze %dma_start3A_173 : memref<1x128x128xf32, #tpu.memory_space<vmem>> -> memref<128x128xf32, #tpu.memory_space<vmem>>
    %dma_start3A_175 = arith.constant 0 : i32
    %dma_start3A_176 = tpu.memref_slice %arg6[%dma_start3A_169, %dma_start3A_175] : memref<3x128xi32, #tpu.memory_space<vmem>> -> memref<1x128xi32, #tpu.memory_space<vmem>>
    %dma_start3A_177 = tpu.memref_squeeze %dma_start3A_176 : memref<1x128xi32, #tpu.memory_space<vmem>> -> memref<128xi32, #tpu.memory_space<vmem>>
    %dma_start3A_178 = arith.constant 0 : i32
    %dma_start3A_179 = arith.constant 0 : i32
    %dma_start3A_180 = tpu.memref_slice %arg2[%dma_start3A_178, %dma_start3A_179] : memref<20000x128xf32, #tpu.memory_space<hbm>> -> memref<20000x128xf32, #tpu.memory_space<hbm>>
    tpu.enqueue_indirect_dma source(%dma_start3A_180 : memref<20000x128xf32, #tpu.memory_space<hbm>>) target(%dma_start3A_174 : memref<128x128xf32, #tpu.memory_space<vmem>>) offsets(%dma_start3A_177 : memref<128xi32, #tpu.memory_space<vmem>>) semaphore(%arg12 : memref<!tpu.dma_semaphore, #tpu.memory_space<semaphore_mem>>)
    %dma_wait3A_181 = arith.constant 0 : i32
    %dma_wait3A_182 = arith.constant 0 : i32
    %dma_wait3A_183 = arith.constant 0 : i32
    %dma_wait3A_184 = arith.constant 0 : i32
    %dma_wait3A_185 = tpu.memref_slice %arg8[%dma_wait3A_182, %dma_wait3A_183, %dma_wait3A_184] : memref<3x128x128xf32, #tpu.memory_space<vmem>> -> memref<1x128x128xf32, #tpu.memory_space<vmem>>
    %dma_wait3A_186 = tpu.memref_squeeze %dma_wait3A_185 : memref<1x128x128xf32, #tpu.memory_space<vmem>> -> memref<128x128xf32, #tpu.memory_space<vmem>>
    %dma_wait3A_187 = arith.constant 0 : i32
    %dma_wait3A_188 = tpu.memref_slice %arg6[%dma_wait3A_181, %dma_wait3A_187] : memref<3x128xi32, #tpu.memory_space<vmem>> -> memref<1x128xi32, #tpu.memory_space<vmem>>
    %dma_wait3A_189 = tpu.memref_squeeze %dma_wait3A_188 : memref<1x128xi32, #tpu.memory_space<vmem>> -> memref<128xi32, #tpu.memory_space<vmem>>
    %dma_wait3A_190 = arith.constant 0 : i32
    %dma_wait3A_191 = arith.constant 0 : i32
    %dma_wait3A_192 = tpu.memref_slice %arg2[%dma_wait3A_190, %dma_wait3A_191] : memref<20000x128xf32, #tpu.memory_space<hbm>> -> memref<20000x128xf32, #tpu.memory_space<hbm>>
    tpu.wait_indirect_dma semaphore(%arg10 : memref<!tpu.dma_semaphore, #tpu.memory_space<semaphore_mem>>) src(%dma_wait3A_192 : memref<20000x128xf32, #tpu.memory_space<hbm>>) dst(%dma_wait3A_186 : memref<128x128xf32, #tpu.memory_space<vmem>>)
    %dma_start3A_193 = arith.constant 0 : i32
    %dma_start3A_194 = arith.constant 0 : i32
    %dma_start3A_195 = arith.constant 0 : i32
    %dma_start3A_196 = arith.constant 0 : i32
    %dma_start3A_197 = tpu.memref_slice %arg8[%dma_start3A_193, %dma_start3A_195, %dma_start3A_196] : memref<3x128x128xf32, #tpu.memory_space<vmem>> -> memref<1x128x128xf32, #tpu.memory_space<vmem>>
    %dma_start3A_198 = tpu.memref_squeeze %dma_start3A_197 : memref<1x128x128xf32, #tpu.memory_space<vmem>> -> memref<128x128xf32, #tpu.memory_space<vmem>>
    %dma_start3A_199 = arith.constant 0 : i32
    %dma_start3A_200 = tpu.memref_slice %arg7[%dma_start3A_194, %dma_start3A_199] : memref<3x128xi32, #tpu.memory_space<vmem>> -> memref<1x128xi32, #tpu.memory_space<vmem>>
    %dma_start3A_201 = tpu.memref_squeeze %dma_start3A_200 : memref<1x128xi32, #tpu.memory_space<vmem>> -> memref<128xi32, #tpu.memory_space<vmem>>
    %dma_start3A_202 = arith.constant 0 : i32
    %dma_start3A_203 = arith.constant 0 : i32
    %dma_start3A_204 = tpu.memref_slice %arg9[%dma_start3A_202, %dma_start3A_203] : memref<10016x128xf32, #tpu.memory_space<vmem_shared>> -> memref<10016x128xf32, #tpu.memory_space<vmem_shared>>
    tpu.enqueue_indirect_dma source(%dma_start3A_198 : memref<128x128xf32, #tpu.memory_space<vmem>>) target(%dma_start3A_204 : memref<10016x128xf32, #tpu.memory_space<vmem_shared>>) offsets(%dma_start3A_201 : memref<128xi32, #tpu.memory_space<vmem>>) semaphore(%arg13 : memref<!tpu.dma_semaphore, #tpu.memory_space<semaphore_mem>>) {add = true}
    %dma_wait3A_205 = arith.constant 0 : i32
    %dma_wait3A_206 = arith.constant 0 : i32
    %dma_wait3A_207 = arith.constant 0 : i32
    %dma_wait3A_208 = arith.constant 0 : i32
    %dma_wait3A_209 = tpu.memref_slice %arg8[%dma_wait3A_205, %dma_wait3A_207, %dma_wait3A_208] : memref<3x128x128xf32, #tpu.memory_space<vmem>> -> memref<1x128x128xf32, #tpu.memory_space<vmem>>
    %dma_wait3A_210 = tpu.memref_squeeze %dma_wait3A_209 : memref<1x128x128xf32, #tpu.memory_space<vmem>> -> memref<128x128xf32, #tpu.memory_space<vmem>>
    %dma_wait3A_211 = arith.constant 0 : i32
    %dma_wait3A_212 = tpu.memref_slice %arg7[%dma_wait3A_206, %dma_wait3A_211] : memref<3x128xi32, #tpu.memory_space<vmem>> -> memref<1x128xi32, #tpu.memory_space<vmem>>
    %dma_wait3A_213 = tpu.memref_squeeze %dma_wait3A_212 : memref<1x128xi32, #tpu.memory_space<vmem>> -> memref<128xi32, #tpu.memory_space<vmem>>
    %dma_wait3A_214 = arith.constant 0 : i32
    %dma_wait3A_215 = arith.constant 0 : i32
    %dma_wait3A_216 = tpu.memref_slice %arg9[%dma_wait3A_214, %dma_wait3A_215] : memref<10016x128xf32, #tpu.memory_space<vmem_shared>> -> memref<10016x128xf32, #tpu.memory_space<vmem_shared>>
    tpu.wait_indirect_dma semaphore(%arg13 : memref<!tpu.dma_semaphore, #tpu.memory_space<semaphore_mem>>) src(%dma_wait3A_210 : memref<128x128xf32, #tpu.memory_space<vmem>>) dst(%dma_wait3A_216 : memref<10016x128xf32, #tpu.memory_space<vmem_shared>>)
    %dma_wait3A_217 = arith.constant 1 : i32
    %dma_wait3A_218 = arith.constant 1 : i32
    %dma_wait3A_219 = arith.constant 0 : i32
    %dma_wait3A_220 = arith.constant 0 : i32
    %dma_wait3A_221 = tpu.memref_slice %arg8[%dma_wait3A_218, %dma_wait3A_219, %dma_wait3A_220] : memref<3x128x128xf32, #tpu.memory_space<vmem>> -> memref<1x128x128xf32, #tpu.memory_space<vmem>>
    %dma_wait3A_222 = tpu.memref_squeeze %dma_wait3A_221 : memref<1x128x128xf32, #tpu.memory_space<vmem>> -> memref<128x128xf32, #tpu.memory_space<vmem>>
    %dma_wait3A_223 = arith.constant 0 : i32
    %dma_wait3A_224 = tpu.memref_slice %arg6[%dma_wait3A_217, %dma_wait3A_223] : memref<3x128xi32, #tpu.memory_space<vmem>> -> memref<1x128xi32, #tpu.memory_space<vmem>>
    %dma_wait3A_225 = tpu.memref_squeeze %dma_wait3A_224 : memref<1x128xi32, #tpu.memory_space<vmem>> -> memref<128xi32, #tpu.memory_space<vmem>>
    %dma_wait3A_226 = arith.constant 0 : i32
    %dma_wait3A_227 = arith.constant 0 : i32
    %dma_wait3A_228 = tpu.memref_slice %arg2[%dma_wait3A_226, %dma_wait3A_227] : memref<20000x128xf32, #tpu.memory_space<hbm>> -> memref<20000x128xf32, #tpu.memory_space<hbm>>
    tpu.wait_indirect_dma semaphore(%arg11 : memref<!tpu.dma_semaphore, #tpu.memory_space<semaphore_mem>>) src(%dma_wait3A_228 : memref<20000x128xf32, #tpu.memory_space<hbm>>) dst(%dma_wait3A_222 : memref<128x128xf32, #tpu.memory_space<vmem>>)
    %dma_start3A_229 = arith.constant 1 : i32
    %dma_start3A_230 = arith.constant 1 : i32
    %dma_start3A_231 = arith.constant 0 : i32
    %dma_start3A_232 = arith.constant 0 : i32
    %dma_start3A_233 = tpu.memref_slice %arg8[%dma_start3A_229, %dma_start3A_231, %dma_start3A_232] : memref<3x128x128xf32, #tpu.memory_space<vmem>> -> memref<1x128x128xf32, #tpu.memory_space<vmem>>
    %dma_start3A_234 = tpu.memref_squeeze %dma_start3A_233 : memref<1x128x128xf32, #tpu.memory_space<vmem>> -> memref<128x128xf32, #tpu.memory_space<vmem>>
    %dma_start3A_235 = arith.constant 0 : i32
    %dma_start3A_236 = tpu.memref_slice %arg7[%dma_start3A_230, %dma_start3A_235] : memref<3x128xi32, #tpu.memory_space<vmem>> -> memref<1x128xi32, #tpu.memory_space<vmem>>
    %dma_start3A_237 = tpu.memref_squeeze %dma_start3A_236 : memref<1x128xi32, #tpu.memory_space<vmem>> -> memref<128xi32, #tpu.memory_space<vmem>>
    %dma_start3A_238 = arith.constant 0 : i32
    %dma_start3A_239 = arith.constant 0 : i32
    %dma_start3A_240 = tpu.memref_slice %arg9[%dma_start3A_238, %dma_start3A_239] : memref<10016x128xf32, #tpu.memory_space<vmem_shared>> -> memref<10016x128xf32, #tpu.memory_space<vmem_shared>>
    tpu.enqueue_indirect_dma source(%dma_start3A_234 : memref<128x128xf32, #tpu.memory_space<vmem>>) target(%dma_start3A_240 : memref<10016x128xf32, #tpu.memory_space<vmem_shared>>) offsets(%dma_start3A_237 : memref<128xi32, #tpu.memory_space<vmem>>) semaphore(%arg13 : memref<!tpu.dma_semaphore, #tpu.memory_space<semaphore_mem>>) {add = true}
    %dma_wait3A_241 = arith.constant 1 : i32
    %dma_wait3A_242 = arith.constant 1 : i32
    %dma_wait3A_243 = arith.constant 0 : i32
    %dma_wait3A_244 = arith.constant 0 : i32
    %dma_wait3A_245 = tpu.memref_slice %arg8[%dma_wait3A_241, %dma_wait3A_243, %dma_wait3A_244] : memref<3x128x128xf32, #tpu.memory_space<vmem>> -> memref<1x128x128xf32, #tpu.memory_space<vmem>>
    %dma_wait3A_246 = tpu.memref_squeeze %dma_wait3A_245 : memref<1x128x128xf32, #tpu.memory_space<vmem>> -> memref<128x128xf32, #tpu.memory_space<vmem>>
    %dma_wait3A_247 = arith.constant 0 : i32
    %dma_wait3A_248 = tpu.memref_slice %arg7[%dma_wait3A_242, %dma_wait3A_247] : memref<3x128xi32, #tpu.memory_space<vmem>> -> memref<1x128xi32, #tpu.memory_space<vmem>>
    %dma_wait3A_249 = tpu.memref_squeeze %dma_wait3A_248 : memref<1x128xi32, #tpu.memory_space<vmem>> -> memref<128xi32, #tpu.memory_space<vmem>>
    %dma_wait3A_250 = arith.constant 0 : i32
    %dma_wait3A_251 = arith.constant 0 : i32
    %dma_wait3A_252 = tpu.memref_slice %arg9[%dma_wait3A_250, %dma_wait3A_251] : memref<10016x128xf32, #tpu.memory_space<vmem_shared>> -> memref<10016x128xf32, #tpu.memory_space<vmem_shared>>
    tpu.wait_indirect_dma semaphore(%arg13 : memref<!tpu.dma_semaphore, #tpu.memory_space<semaphore_mem>>) src(%dma_wait3A_246 : memref<128x128xf32, #tpu.memory_space<vmem>>) dst(%dma_wait3A_252 : memref<10016x128xf32, #tpu.memory_space<vmem_shared>>)
    %dma_wait3A_253 = arith.constant 2 : i32
    %dma_wait3A_254 = arith.constant 2 : i32
    %dma_wait3A_255 = arith.constant 0 : i32
    %dma_wait3A_256 = arith.constant 0 : i32
    %dma_wait3A_257 = tpu.memref_slice %arg8[%dma_wait3A_254, %dma_wait3A_255, %dma_wait3A_256] : memref<3x128x128xf32, #tpu.memory_space<vmem>> -> memref<1x128x128xf32, #tpu.memory_space<vmem>>
    %dma_wait3A_258 = tpu.memref_squeeze %dma_wait3A_257 : memref<1x128x128xf32, #tpu.memory_space<vmem>> -> memref<128x128xf32, #tpu.memory_space<vmem>>
    %dma_wait3A_259 = arith.constant 0 : i32
    %dma_wait3A_260 = tpu.memref_slice %arg6[%dma_wait3A_253, %dma_wait3A_259] : memref<3x128xi32, #tpu.memory_space<vmem>> -> memref<1x128xi32, #tpu.memory_space<vmem>>
    %dma_wait3A_261 = tpu.memref_squeeze %dma_wait3A_260 : memref<1x128xi32, #tpu.memory_space<vmem>> -> memref<128xi32, #tpu.memory_space<vmem>>
    %dma_wait3A_262 = arith.constant 0 : i32
    %dma_wait3A_263 = arith.constant 0 : i32
    %dma_wait3A_264 = tpu.memref_slice %arg2[%dma_wait3A_262, %dma_wait3A_263] : memref<20000x128xf32, #tpu.memory_space<hbm>> -> memref<20000x128xf32, #tpu.memory_space<hbm>>
    tpu.wait_indirect_dma semaphore(%arg12 : memref<!tpu.dma_semaphore, #tpu.memory_space<semaphore_mem>>) src(%dma_wait3A_264 : memref<20000x128xf32, #tpu.memory_space<hbm>>) dst(%dma_wait3A_258 : memref<128x128xf32, #tpu.memory_space<vmem>>)
    %dma_start3A_265 = arith.constant 2 : i32
    %dma_start3A_266 = arith.constant 2 : i32
    %dma_start3A_267 = arith.constant 0 : i32
    %dma_start3A_268 = arith.constant 0 : i32
    %dma_start3A_269 = tpu.memref_slice %arg8[%dma_start3A_265, %dma_start3A_267, %dma_start3A_268] : memref<3x128x128xf32, #tpu.memory_space<vmem>> -> memref<1x128x128xf32, #tpu.memory_space<vmem>>
    %dma_start3A_270 = tpu.memref_squeeze %dma_start3A_269 : memref<1x128x128xf32, #tpu.memory_space<vmem>> -> memref<128x128xf32, #tpu.memory_space<vmem>>
    %dma_start3A_271 = arith.constant 0 : i32
    %dma_start3A_272 = tpu.memref_slice %arg7[%dma_start3A_266, %dma_start3A_271] : memref<3x128xi32, #tpu.memory_space<vmem>> -> memref<1x128xi32, #tpu.memory_space<vmem>>
    %dma_start3A_273 = tpu.memref_squeeze %dma_start3A_272 : memref<1x128xi32, #tpu.memory_space<vmem>> -> memref<128xi32, #tpu.memory_space<vmem>>
    %dma_start3A_274 = arith.constant 0 : i32
    %dma_start3A_275 = arith.constant 0 : i32
    %dma_start3A_276 = tpu.memref_slice %arg9[%dma_start3A_274, %dma_start3A_275] : memref<10016x128xf32, #tpu.memory_space<vmem_shared>> -> memref<10016x128xf32, #tpu.memory_space<vmem_shared>>
    tpu.enqueue_indirect_dma source(%dma_start3A_270 : memref<128x128xf32, #tpu.memory_space<vmem>>) target(%dma_start3A_276 : memref<10016x128xf32, #tpu.memory_space<vmem_shared>>) offsets(%dma_start3A_273 : memref<128xi32, #tpu.memory_space<vmem>>) semaphore(%arg13 : memref<!tpu.dma_semaphore, #tpu.memory_space<semaphore_mem>>) {add = true}
    %dma_wait3A_277 = arith.constant 2 : i32
    %dma_wait3A_278 = arith.constant 2 : i32
    %dma_wait3A_279 = arith.constant 0 : i32
    %dma_wait3A_280 = arith.constant 0 : i32
    %dma_wait3A_281 = tpu.memref_slice %arg8[%dma_wait3A_277, %dma_wait3A_279, %dma_wait3A_280] : memref<3x128x128xf32, #tpu.memory_space<vmem>> -> memref<1x128x128xf32, #tpu.memory_space<vmem>>
    %dma_wait3A_282 = tpu.memref_squeeze %dma_wait3A_281 : memref<1x128x128xf32, #tpu.memory_space<vmem>> -> memref<128x128xf32, #tpu.memory_space<vmem>>
    %dma_wait3A_283 = arith.constant 0 : i32
    %dma_wait3A_284 = tpu.memref_slice %arg7[%dma_wait3A_278, %dma_wait3A_283] : memref<3x128xi32, #tpu.memory_space<vmem>> -> memref<1x128xi32, #tpu.memory_space<vmem>>
    %dma_wait3A_285 = tpu.memref_squeeze %dma_wait3A_284 : memref<1x128xi32, #tpu.memory_space<vmem>> -> memref<128xi32, #tpu.memory_space<vmem>>
    %dma_wait3A_286 = arith.constant 0 : i32
    %dma_wait3A_287 = arith.constant 0 : i32
    %dma_wait3A_288 = tpu.memref_slice %arg9[%dma_wait3A_286, %dma_wait3A_287] : memref<10016x128xf32, #tpu.memory_space<vmem_shared>> -> memref<10016x128xf32, #tpu.memory_space<vmem_shared>>
    tpu.wait_indirect_dma semaphore(%arg13 : memref<!tpu.dma_semaphore, #tpu.memory_space<semaphore_mem>>) src(%dma_wait3A_282 : memref<128x128xf32, #tpu.memory_space<vmem>>) dst(%dma_wait3A_288 : memref<10016x128xf32, #tpu.memory_space<vmem_shared>>)
    %barrier3A_289 = arith.constant 0 : index
    tpu.barrier barrier_id(%barrier3A_289)
    %mul3A_290 = arith.constant 10000 : i32
    %mul3A_291 = arith.muli %arg0, %mul3A_290 : i32
    %mul3A_292 = arith.constant 632 : i32
    %mul3A_293 = arith.muli %arg1, %mul3A_292 : i32
    %add3A_294 = arith.addi %mul3A_291, %mul3A_293 : i32
    %lt3A_295 = arith.constant 15 : i32
    %lt3A_296 = arith.cmpi slt, %arg1, %lt3A_295 : i32
    %convert_element_type3A_297 = arith.extui %lt3A_296 : i1 to i32
    %cond3A_298 = arith.constant 0 : i32
    %cond3A_299 = arith.cmpi ne, %convert_element_type3A_297, %cond3A_298 : i32
    scf.if %cond3A_299 {
      "tpu.region"() ({
        %run_scoped3A = tpu.sem_alloc : memref<!tpu.dma_semaphore, #tpu.memory_space<semaphore_mem>>
        %dma_start3A_305 = arith.constant 0 : i32
        %dma_start3A_306 = tpu.memref_slice %arg5[%add3A_294, %dma_start3A_305] : memref<20000x128xf32, #tpu.memory_space<hbm>> -> memref<632x128xf32, #tpu.memory_space<hbm>>
        %dma_start3A_307 = arith.constant 0 : i32
        %dma_start3A_308 = tpu.memref_slice %arg9[%mul3A_10, %dma_start3A_307] : memref<10016x128xf32, #tpu.memory_space<vmem_shared>> -> memref<632x128xf32, #tpu.memory_space<vmem_shared>>
        tpu.enqueue_dma source(%dma_start3A_308 : memref<632x128xf32, #tpu.memory_space<vmem_shared>>) target(%dma_start3A_306 : memref<632x128xf32, #tpu.memory_space<hbm>>) target_semaphore(%run_scoped3A : memref<!tpu.dma_semaphore, #tpu.memory_space<semaphore_mem>>)
        %dma_wait3A_309 = arith.constant 0 : i32
        %dma_wait3A_310 = tpu.memref_slice %arg5[%add3A_294, %dma_wait3A_309] : memref<20000x128xf32, #tpu.memory_space<hbm>> -> memref<632x128xf32, #tpu.memory_space<hbm>>
        %dma_wait3A_311 = arith.constant 0 : i32
        %dma_wait3A_312 = tpu.memref_slice %arg9[%mul3A_10, %dma_wait3A_311] : memref<10016x128xf32, #tpu.memory_space<vmem_shared>> -> memref<632x128xf32, #tpu.memory_space<vmem_shared>>
        tpu.wait_dma2 semaphore(%run_scoped3A : memref<!tpu.dma_semaphore, #tpu.memory_space<semaphore_mem>>) src(%dma_wait3A_312 : memref<632x128xf32, #tpu.memory_space<vmem_shared>>) dst(%dma_wait3A_310 : memref<632x128xf32, #tpu.memory_space<hbm>>)
        tpu.yield
      }) : () -> ()
    } else {
    }
    %eq3A_300 = arith.constant 15 : i32
    %eq3A_301 = arith.cmpi eq, %arg1, %eq3A_300 : i32
    %convert_element_type3A_302 = arith.extui %eq3A_301 : i1 to i32
    %cond3A_303 = arith.constant 0 : i32
    %cond3A_304 = arith.cmpi ne, %convert_element_type3A_302, %cond3A_303 : i32
    scf.if %cond3A_304 {
      "tpu.region"() ({
        %run_scoped3A = tpu.sem_alloc : memref<!tpu.dma_semaphore, #tpu.memory_space<semaphore_mem>>
        %dma_start3A_305 = arith.constant 0 : i32
        %dma_start3A_306 = tpu.memref_slice %arg5[%add3A_294, %dma_start3A_305] : memref<20000x128xf32, #tpu.memory_space<hbm>> -> memref<520x128xf32, #tpu.memory_space<hbm>>
        %dma_start3A_307 = arith.constant 0 : i32
        %dma_start3A_308 = tpu.memref_slice %arg9[%mul3A_10, %dma_start3A_307] : memref<10016x128xf32, #tpu.memory_space<vmem_shared>> -> memref<520x128xf32, #tpu.memory_space<vmem_shared>>
        tpu.enqueue_dma source(%dma_start3A_308 : memref<520x128xf32, #tpu.memory_space<vmem_shared>>) target(%dma_start3A_306 : memref<520x128xf32, #tpu.memory_space<hbm>>) target_semaphore(%run_scoped3A : memref<!tpu.dma_semaphore, #tpu.memory_space<semaphore_mem>>)
        %dma_wait3A_309 = arith.constant 0 : i32
        %dma_wait3A_310 = tpu.memref_slice %arg5[%add3A_294, %dma_wait3A_309] : memref<20000x128xf32, #tpu.memory_space<hbm>> -> memref<520x128xf32, #tpu.memory_space<hbm>>
        %dma_wait3A_311 = arith.constant 0 : i32
        %dma_wait3A_312 = tpu.memref_slice %arg9[%mul3A_10, %dma_wait3A_311] : memref<10016x128xf32, #tpu.memory_space<vmem_shared>> -> memref<520x128xf32, #tpu.memory_space<vmem_shared>>
        tpu.wait_dma2 semaphore(%run_scoped3A : memref<!tpu.dma_semaphore, #tpu.memory_space<semaphore_mem>>) src(%dma_wait3A_312 : memref<520x128xf32, #tpu.memory_space<vmem_shared>>) dst(%dma_wait3A_310 : memref<520x128xf32, #tpu.memory_space<hbm>>)
        tpu.yield
      }) : () -> ()
    } else {
    }
    return
  }
}

module attributes {stable_mosaic.version = 14 : i64} {
  func.func @body(%arg0: i32, %arg1: memref<2000x128xf32, #tpu.memory_space<vmem>>, %arg2: memref<128x384xf32, #tpu.memory_space<vmem>>, %arg3: memref<1x384xf32, #tpu.memory_space<vmem>>, %arg4: memref<128x128xf32, #tpu.memory_space<vmem>>, %arg5: memref<1x128xf32, #tpu.memory_space<vmem>>, %arg6: memref<2x2000x128xf32, #tpu.memory_space<vmem>>) attributes {dimension_semantics = [#tpu.dimension_semantics<arbitrary>], iteration_bounds = array<i64: 5>, scalar_prefetch = 0 : i64, scratch_operands = 0 : i64, tpu.core_type = #tpu.core_type<tc>, window_params = [{transform_indices = @transform_0, window_bounds = array<i64: 2000, 128>}, {pipeline_mode = #tpu.pipeline_mode<synchronous>, transform_indices = @transform_1, window_bounds = array<i64: 128, 384>}, {pipeline_mode = #tpu.pipeline_mode<synchronous>, transform_indices = @transform_2, window_bounds = array<i64: 1, 384>}, {pipeline_mode = #tpu.pipeline_mode<synchronous>, transform_indices = @transform_3, window_bounds = array<i64: 128, 128>}, {pipeline_mode = #tpu.pipeline_mode<synchronous>, transform_indices = @transform_4, window_bounds = array<i64: 1, 128>}, {transform_indices = @transform_5, window_bounds = array<i64: 2, 2000, 128>}]} {
    %get3A = arith.constant 0 : index
    %get3A_0 = arith.constant 0 : index
    %get3A_1 = vector.load %arg1[%get3A, %get3A_0] : memref<2000x128xf32, #tpu.memory_space<vmem>>, vector<2000x128xf32>
    %get3A_2 = arith.constant 0 : index
    %get3A_3 = arith.constant 0 : index
    %get3A_4 = vector.load %arg2[%get3A_2, %get3A_3] : memref<128x384xf32, #tpu.memory_space<vmem>>, vector<128x384xf32>
    %dot_general3A = arith.constant dense<0.000000e+00> : vector<2000x384xf32>
    %dot_general3A_5 = tpu.matmul %get3A_1, %get3A_4, %dot_general3A {dimension_numbers = #tpu.dot_dimension_numbers<[1], [0], [0], [1], [0, 0, 1, 1], [], []>, transpose_lhs_hint = false} : vector<2000x128xf32>, vector<128x384xf32>, vector<2000x384xf32> -> vector<2000x384xf32>
    %get3A_6 = arith.constant 0 : index
    %get3A_7 = arith.constant 0 : index
    %get3A_8 = vector.load %arg3[%get3A_6, %get3A_7] : memref<1x384xf32, #tpu.memory_space<vmem>>, vector<1x384xf32>
    %add3A = vector.broadcast %get3A_8 : vector<1x384xf32> to vector<2000x384xf32>
    %add3A_9 = arith.addf %dot_general3A_5, %add3A : vector<2000x384xf32>
    %slice3A = vector.extract_strided_slice %add3A_9 {offsets = [0, 0], sizes = [2000, 128], strides = [1, 1]} : vector<2000x384xf32> to vector<2000x128xf32>
    %logistic3A = arith.negf %slice3A : vector<2000x128xf32>
    %logistic3A_10 = math.exp %logistic3A : vector<2000x128xf32>
    %logistic3A_11 = arith.constant 1.000000e+00 : f32
    %logistic3A_12 = vector.broadcast %logistic3A_11 : f32 to vector<2000x128xf32>
    %logistic3A_13 = arith.addf %logistic3A_12, %logistic3A_10 : vector<2000x128xf32>
    %logistic3A_14 = arith.divf %logistic3A_12, %logistic3A_13 : vector<2000x128xf32>
    %slice3A_15 = vector.extract_strided_slice %add3A_9 {offsets = [0, 128], sizes = [2000, 128], strides = [1, 1]} : vector<2000x384xf32> to vector<2000x128xf32>
    %logistic3A_16 = arith.negf %slice3A_15 : vector<2000x128xf32>
    %logistic3A_17 = math.exp %logistic3A_16 : vector<2000x128xf32>
    %logistic3A_18 = arith.constant 1.000000e+00 : f32
    %logistic3A_19 = vector.broadcast %logistic3A_18 : f32 to vector<2000x128xf32>
    %logistic3A_20 = arith.addf %logistic3A_19, %logistic3A_17 : vector<2000x128xf32>
    %logistic3A_21 = arith.divf %logistic3A_19, %logistic3A_20 : vector<2000x128xf32>
    %slice3A_22 = vector.extract_strided_slice %add3A_9 {offsets = [0, 256], sizes = [2000, 128], strides = [1, 1]} : vector<2000x384xf32> to vector<2000x128xf32>
    %tanh3A = math.tanh %slice3A_22 : vector<2000x128xf32>
    %mul3A = arith.mulf %logistic3A_14, %tanh3A : vector<2000x128xf32>
    %tanh3A_23 = math.tanh %mul3A : vector<2000x128xf32>
    %mul3A_24 = arith.mulf %logistic3A_21, %tanh3A_23 : vector<2000x128xf32>
    %get3A_25 = arith.constant 0 : index
    %get3A_26 = arith.constant 0 : index
    %get3A_27 = vector.load %arg4[%get3A_25, %get3A_26] : memref<128x128xf32, #tpu.memory_space<vmem>>, vector<128x128xf32>
    %dot_general3A_28 = arith.constant dense<0.000000e+00> : vector<2000x128xf32>
    %dot_general3A_29 = tpu.matmul %mul3A_24, %get3A_27, %dot_general3A_28 {dimension_numbers = #tpu.dot_dimension_numbers<[1], [0], [0], [1], [0, 0, 1, 1], [], []>, transpose_lhs_hint = false} : vector<2000x128xf32>, vector<128x128xf32>, vector<2000x128xf32> -> vector<2000x128xf32>
    %get3A_30 = arith.constant 0 : index
    %get3A_31 = arith.constant 0 : index
    %get3A_32 = vector.load %arg5[%get3A_30, %get3A_31] : memref<1x128xf32, #tpu.memory_space<vmem>>, vector<1x128xf32>
    %add3A_33 = vector.broadcast %get3A_32 : vector<1x128xf32> to vector<2000x128xf32>
    %add3A_34 = arith.addf %dot_general3A_29, %add3A_33 : vector<2000x128xf32>
    %logistic3A_35 = arith.negf %add3A_34 : vector<2000x128xf32>
    %logistic3A_36 = math.exp %logistic3A_35 : vector<2000x128xf32>
    %logistic3A_37 = arith.constant 1.000000e+00 : f32
    %logistic3A_38 = vector.broadcast %logistic3A_37 : f32 to vector<2000x128xf32>
    %logistic3A_39 = arith.addf %logistic3A_38, %logistic3A_36 : vector<2000x128xf32>
    %logistic3A_40 = arith.divf %logistic3A_38, %logistic3A_39 : vector<2000x128xf32>
    %swap3A = arith.constant 0 : index
    %swap3A_41 = arith.constant 0 : index
    %swap3A_42 = arith.constant 0 : index
    %swap3A_43 = vector.load %arg6[%swap3A, %swap3A_41, %swap3A_42] : memref<2x2000x128xf32, #tpu.memory_space<vmem>>, vector<1x2000x128xf32>
    %swap3A_44 = vector.shape_cast %swap3A_43 : vector<1x2000x128xf32> to vector<2000x128xf32>
    %swap3A_45 = vector.shape_cast %mul3A_24 : vector<2000x128xf32> to vector<1x2000x128xf32>
    tpu.vector_store %arg6[%swap3A, %swap3A_41, %swap3A_42], %swap3A_45 {strides = array<i32>} : memref<2x2000x128xf32, #tpu.memory_space<vmem>>, vector<1x2000x128xf32>,
    %mul3A_46 = arith.mulf %logistic3A_40, %mul3A : vector<2000x128xf32>
    %swap3A_47 = arith.constant 1 : index
    %swap3A_48 = arith.constant 0 : index
    %swap3A_49 = arith.constant 0 : index
    %swap3A_50 = vector.load %arg6[%swap3A_47, %swap3A_48, %swap3A_49] : memref<2x2000x128xf32, #tpu.memory_space<vmem>>, vector<1x2000x128xf32>
    %swap3A_51 = vector.shape_cast %swap3A_50 : vector<1x2000x128xf32> to vector<2000x128xf32>
    %swap3A_52 = vector.shape_cast %mul3A_46 : vector<2000x128xf32> to vector<1x2000x128xf32>
    tpu.vector_store %arg6[%swap3A_47, %swap3A_48, %swap3A_49], %swap3A_52 {strides = array<i32>} : memref<2x2000x128xf32, #tpu.memory_space<vmem>>, vector<1x2000x128xf32>,
    return
  }
  func.func @transform_0(%arg0: i32) -> (i32, i32) {
    %c0_i32 = arith.constant 0 : i32
    %c0_i32_0 = arith.constant 0 : i32
    return %arg0, %c0_i32 : i32, i32
  }
  func.func @transform_1(%arg0: i32) -> (i32, i32) {
    %c0_i32 = arith.constant 0 : i32
    %c0_i32_0 = arith.constant 0 : i32
    %c0_i32_1 = arith.constant 0 : i32
    return %c0_i32, %c0_i32_0 : i32, i32
  }
  func.func @transform_2(%arg0: i32) -> (i32, i32) {
    %c0_i32 = arith.constant 0 : i32
    %c0_i32_0 = arith.constant 0 : i32
    %c0_i32_1 = arith.constant 0 : i32
    return %c0_i32, %c0_i32_0 : i32, i32
  }
  func.func @transform_3(%arg0: i32) -> (i32, i32) {
    %c0_i32 = arith.constant 0 : i32
    %c0_i32_0 = arith.constant 0 : i32
    %c0_i32_1 = arith.constant 0 : i32
    return %c0_i32, %c0_i32_0 : i32, i32
  }
  func.func @transform_4(%arg0: i32) -> (i32, i32) {
    %c0_i32 = arith.constant 0 : i32
    %c0_i32_0 = arith.constant 0 : i32
    %c0_i32_1 = arith.constant 0 : i32
    return %c0_i32, %c0_i32_0 : i32, i32
  }
  func.func @transform_5(%arg0: i32) -> (i32, i32, i32) {
    %c0_i32 = arith.constant 0 : i32
    %c0_i32_0 = arith.constant 0 : i32
    %c0_i32_1 = arith.constant 0 : i32
    return %c0_i32, %arg0, %c0_i32_0 : i32, i32, i32
  }
}

module attributes {stable_mosaic.version = 14 : i64} {
  func.func @body(%arg0: i32, %arg1: memref<2000x128xf32, #tpu.memory_space<vmem>>, %arg2: memref<2000x128xf32, #tpu.memory_space<vmem>>, %arg3: memref<2000x128xf32, #tpu.memory_space<vmem>>, %arg4: memref<128x384xf32, #tpu.memory_space<vmem>>, %arg5: memref<128x384xf32, #tpu.memory_space<vmem>>, %arg6: memref<1x384xf32, #tpu.memory_space<vmem>>, %arg7: memref<128x5xf32, #tpu.memory_space<vmem>>, %arg8: memref<1x5xf32, #tpu.memory_space<vmem>>, %arg9: memref<1x5xf32, #tpu.memory_space<vmem>>, %arg10: memref<1x128xf32, #tpu.memory_space<vmem>>) attributes {dimension_semantics = [#tpu.dimension_semantics<arbitrary>], iteration_bounds = array<i64: 5>, scalar_prefetch = 0 : i64, scratch_operands = 1 : i64, tpu.core_type = #tpu.core_type<tc>, window_params = [{transform_indices = @transform_0, window_bounds = array<i64: 2000, 128>}, {transform_indices = @transform_1, window_bounds = array<i64: 2000, 128>}, {transform_indices = @transform_2, window_bounds = array<i64: 2000, 128>}, {pipeline_mode = #tpu.pipeline_mode<synchronous>, transform_indices = @transform_3, window_bounds = array<i64: 128, 384>}, {pipeline_mode = #tpu.pipeline_mode<synchronous>, transform_indices = @transform_4, window_bounds = array<i64: 128, 384>}, {pipeline_mode = #tpu.pipeline_mode<synchronous>, transform_indices = @transform_5, window_bounds = array<i64: 1, 384>}, {pipeline_mode = #tpu.pipeline_mode<synchronous>, transform_indices = @transform_6, window_bounds = array<i64: 128, 5>}, {pipeline_mode = #tpu.pipeline_mode<synchronous>, transform_indices = @transform_7, window_bounds = array<i64: 1, 5>}, {pipeline_mode = #tpu.pipeline_mode<synchronous>, transform_indices = @transform_8, window_bounds = array<i64: 1, 5>}]} {
    %get3A = arith.constant 0 : index
    %get3A_0 = arith.constant 0 : index
    %get3A_1 = vector.load %arg1[%get3A, %get3A_0] : memref<2000x128xf32, #tpu.memory_space<vmem>>, vector<2000x128xf32>
    %get3A_2 = arith.constant 0 : index
    %get3A_3 = arith.constant 0 : index
    %get3A_4 = vector.load %arg4[%get3A_2, %get3A_3] : memref<128x384xf32, #tpu.memory_space<vmem>>, vector<128x384xf32>
    %dot_general3A = arith.constant dense<0.000000e+00> : vector<2000x384xf32>
    %dot_general3A_5 = tpu.matmul %get3A_1, %get3A_4, %dot_general3A {dimension_numbers = #tpu.dot_dimension_numbers<[1], [0], [0], [1], [0, 0, 1, 1], [], []>, transpose_lhs_hint = false} : vector<2000x128xf32>, vector<128x384xf32>, vector<2000x384xf32> -> vector<2000x384xf32>
    %get3A_6 = arith.constant 0 : index
    %get3A_7 = arith.constant 0 : index
    %get3A_8 = vector.load %arg2[%get3A_6, %get3A_7] : memref<2000x128xf32, #tpu.memory_space<vmem>>, vector<2000x128xf32>
    %get3A_9 = arith.constant 0 : index
    %get3A_10 = arith.constant 0 : index
    %get3A_11 = vector.load %arg5[%get3A_9, %get3A_10] : memref<128x384xf32, #tpu.memory_space<vmem>>, vector<128x384xf32>
    %dot_general3A_12 = arith.constant dense<0.000000e+00> : vector<2000x384xf32>
    %dot_general3A_13 = tpu.matmul %get3A_8, %get3A_11, %dot_general3A_12 {dimension_numbers = #tpu.dot_dimension_numbers<[1], [0], [0], [1], [0, 0, 1, 1], [], []>, transpose_lhs_hint = false} : vector<2000x128xf32>, vector<128x384xf32>, vector<2000x384xf32> -> vector<2000x384xf32>
    %add3A = arith.addf %dot_general3A_5, %dot_general3A_13 : vector<2000x384xf32>
    %get3A_14 = arith.constant 0 : index
    %get3A_15 = arith.constant 0 : index
    %get3A_16 = vector.load %arg6[%get3A_14, %get3A_15] : memref<1x384xf32, #tpu.memory_space<vmem>>, vector<1x384xf32>
    %add3A_17 = vector.broadcast %get3A_16 : vector<1x384xf32> to vector<2000x384xf32>
    %add3A_18 = arith.addf %add3A, %add3A_17 : vector<2000x384xf32>
    %slice3A = vector.extract_strided_slice %add3A_18 {offsets = [0, 0], sizes = [2000, 128], strides = [1, 1]} : vector<2000x384xf32> to vector<2000x128xf32>
    %logistic3A = arith.negf %slice3A : vector<2000x128xf32>
    %logistic3A_19 = math.exp %logistic3A : vector<2000x128xf32>
    %logistic3A_20 = arith.constant 1.000000e+00 : f32
    %logistic3A_21 = vector.broadcast %logistic3A_20 : f32 to vector<2000x128xf32>
    %logistic3A_22 = arith.addf %logistic3A_21, %logistic3A_19 : vector<2000x128xf32>
    %logistic3A_23 = arith.divf %logistic3A_21, %logistic3A_22 : vector<2000x128xf32>
    %slice3A_24 = vector.extract_strided_slice %add3A_18 {offsets = [0, 128], sizes = [2000, 128], strides = [1, 1]} : vector<2000x384xf32> to vector<2000x128xf32>
    %logistic3A_25 = arith.negf %slice3A_24 : vector<2000x128xf32>
    %logistic3A_26 = math.exp %logistic3A_25 : vector<2000x128xf32>
    %logistic3A_27 = arith.constant 1.000000e+00 : f32
    %logistic3A_28 = vector.broadcast %logistic3A_27 : f32 to vector<2000x128xf32>
    %logistic3A_29 = arith.addf %logistic3A_28, %logistic3A_26 : vector<2000x128xf32>
    %logistic3A_30 = arith.divf %logistic3A_28, %logistic3A_29 : vector<2000x128xf32>
    %slice3A_31 = vector.extract_strided_slice %add3A_18 {offsets = [0, 256], sizes = [2000, 128], strides = [1, 1]} : vector<2000x384xf32> to vector<2000x128xf32>
    %tanh3A = math.tanh %slice3A_31 : vector<2000x128xf32>
    %mul3A = arith.mulf %logistic3A_23, %tanh3A : vector<2000x128xf32>
    %get3A_32 = arith.constant 0 : index
    %get3A_33 = arith.constant 0 : index
    %get3A_34 = vector.load %arg3[%get3A_32, %get3A_33] : memref<2000x128xf32, #tpu.memory_space<vmem>>, vector<2000x128xf32>
    %add3A_35 = arith.addf %mul3A, %get3A_34 : vector<2000x128xf32>
    %tanh3A_36 = math.tanh %add3A_35 : vector<2000x128xf32>
    %mul3A_37 = arith.mulf %logistic3A_30, %tanh3A_36 : vector<2000x128xf32>
    %reduce_sum3A = arith.constant dense<0.000000e+00> : vector<128xf32>
    %reduce_sum3A_38 = vector.multi_reduction <add>, %mul3A_37, %reduce_sum3A [0] : vector<2000x128xf32> to vector<128xf32>
    %broadcast_in_dim3A = vector.shape_cast %reduce_sum3A_38 : vector<128xf32> to vector<1x128xf32>
    %eq3A = arith.constant 0 : i32
    %eq3A_39 = arith.cmpi eq, %arg0, %eq3A : i32
    %convert_element_type3A = arith.extui %eq3A_39 : i1 to i32
    %cond3A = arith.constant 0 : i32
    %cond3A_40 = arith.cmpi ne, %convert_element_type3A, %cond3A : i32
    scf.if %cond3A_40 {
      %broadcast_in_dim3A_52 = arith.constant 0.000000e+00 : f32
      %broadcast_in_dim3A_53 = vector.broadcast %broadcast_in_dim3A_52 : f32 to vector<1x128xf32>
      %swap3A_54 = arith.constant 0 : index
      %swap3A_55 = arith.constant 0 : index
      %swap3A_56 = vector.load %arg10[%swap3A_54, %swap3A_55] : memref<1x128xf32, #tpu.memory_space<vmem>>, vector<1x128xf32>
      tpu.vector_store %arg10[%swap3A_54, %swap3A_55], %broadcast_in_dim3A_53 {strides = array<i32>} : memref<1x128xf32, #tpu.memory_space<vmem>>, vector<1x128xf32>,
    } else {
    }
    %get3A_41 = arith.constant 0 : index
    %get3A_42 = arith.constant 0 : index
    %get3A_43 = vector.load %arg10[%get3A_41, %get3A_42] : memref<1x128xf32, #tpu.memory_space<vmem>>, vector<1x128xf32>
    %add3A_44 = arith.addf %get3A_43, %broadcast_in_dim3A : vector<1x128xf32>
    %swap3A = arith.constant 0 : index
    %swap3A_45 = arith.constant 0 : index
    %swap3A_46 = vector.load %arg10[%swap3A, %swap3A_45] : memref<1x128xf32, #tpu.memory_space<vmem>>, vector<1x128xf32>
    tpu.vector_store %arg10[%swap3A, %swap3A_45], %add3A_44 {strides = array<i32>} : memref<1x128xf32, #tpu.memory_space<vmem>>, vector<1x128xf32>,
    %eq3A_47 = arith.constant 4 : i32
    %eq3A_48 = arith.cmpi eq, %arg0, %eq3A_47 : i32
    %convert_element_type3A_49 = arith.extui %eq3A_48 : i1 to i32
    %cond3A_50 = arith.constant 0 : i32
    %cond3A_51 = arith.cmpi ne, %convert_element_type3A_49, %cond3A_50 : i32
    scf.if %cond3A_51 {
      %get3A_52 = arith.constant 0 : index
      %get3A_53 = arith.constant 0 : index
      %get3A_54 = vector.load %arg10[%get3A_52, %get3A_53] : memref<1x128xf32, #tpu.memory_space<vmem>>, vector<1x128xf32>
      %mul3A_55 = arith.constant 9.99999974E-5 : f32
      %mul3A_56 = vector.broadcast %mul3A_55 : f32 to vector<1x128xf32>
      %mul3A_57 = arith.mulf %get3A_54, %mul3A_56 : vector<1x128xf32>
      %get3A_58 = arith.constant 0 : index
      %get3A_59 = arith.constant 0 : index
      %get3A_60 = vector.load %arg7[%get3A_58, %get3A_59] : memref<128x5xf32, #tpu.memory_space<vmem>>, vector<128x5xf32>
      %dot_general3A_61 = arith.constant dense<0.000000e+00> : vector<1x5xf32>
      %dot_general3A_62 = tpu.matmul %mul3A_57, %get3A_60, %dot_general3A_61 {dimension_numbers = #tpu.dot_dimension_numbers<[1], [0], [0], [1], [0, 0, 1, 1], [], []>, transpose_lhs_hint = false} : vector<1x128xf32>, vector<128x5xf32>, vector<1x5xf32> -> vector<1x5xf32>
      %get3A_63 = arith.constant 0 : index
      %get3A_64 = arith.constant 0 : index
      %get3A_65 = vector.load %arg8[%get3A_63, %get3A_64] : memref<1x5xf32, #tpu.memory_space<vmem>>, vector<1x5xf32>
      %add3A_66 = arith.addf %dot_general3A_62, %get3A_65 : vector<1x5xf32>
      %swap3A_67 = arith.constant 0 : index
      %swap3A_68 = arith.constant 0 : index
      %swap3A_69 = vector.load %arg9[%swap3A_67, %swap3A_68] : memref<1x5xf32, #tpu.memory_space<vmem>>, vector<1x5xf32>
      tpu.vector_store %arg9[%swap3A_67, %swap3A_68], %add3A_66 {strides = array<i32>} : memref<1x5xf32, #tpu.memory_space<vmem>>, vector<1x5xf32>,
    } else {
    }
    return
  }
  func.func @transform_0(%arg0: i32) -> (i32, i32) {
    %c0_i32 = arith.constant 0 : i32
    %c0_i32_0 = arith.constant 0 : i32
    return %arg0, %c0_i32 : i32, i32
  }
  func.func @transform_1(%arg0: i32) -> (i32, i32) {
    %c0_i32 = arith.constant 0 : i32
    %c0_i32_0 = arith.constant 0 : i32
    return %arg0, %c0_i32 : i32, i32
  }
  func.func @transform_2(%arg0: i32) -> (i32, i32) {
    %c0_i32 = arith.constant 0 : i32
    %c0_i32_0 = arith.constant 0 : i32
    return %arg0, %c0_i32 : i32, i32
  }
  func.func @transform_3(%arg0: i32) -> (i32, i32) {
    %c0_i32 = arith.constant 0 : i32
    %c0_i32_0 = arith.constant 0 : i32
    %c0_i32_1 = arith.constant 0 : i32
    return %c0_i32, %c0_i32_0 : i32, i32
  }
  func.func @transform_4(%arg0: i32) -> (i32, i32) {
    %c0_i32 = arith.constant 0 : i32
    %c0_i32_0 = arith.constant 0 : i32
    %c0_i32_1 = arith.constant 0 : i32
    return %c0_i32, %c0_i32_0 : i32, i32
  }
  func.func @transform_5(%arg0: i32) -> (i32, i32) {
    %c0_i32 = arith.constant 0 : i32
    %c0_i32_0 = arith.constant 0 : i32
    %c0_i32_1 = arith.constant 0 : i32
    return %c0_i32, %c0_i32_0 : i32, i32
  }
  func.func @transform_6(%arg0: i32) -> (i32, i32) {
    %c0_i32 = arith.constant 0 : i32
    %c0_i32_0 = arith.constant 0 : i32
    %c0_i32_1 = arith.constant 0 : i32
    return %c0_i32, %c0_i32_0 : i32, i32
  }
  func.func @transform_7(%arg0: i32) -> (i32, i32) {
    %c0_i32 = arith.constant 0 : i32
    %c0_i32_0 = arith.constant 0 : i32
    %c0_i32_1 = arith.constant 0 : i32
    return %c0_i32, %c0_i32_0 : i32, i32
  }
  func.func @transform_8(%arg0: i32) -> (i32, i32) {
    %c0_i32 = arith.constant 0 : i32
    %c0_i32_0 = arith.constant 0 : i32
    %c0_i32_1 = arith.constant 0 : i32
    return %c0_i32, %c0_i32_0 : i32, i32
  }
}

</mosaic_0001>

<sc_bundles>
// kernel: kernel.6.cloned.1.call-start
scs
__scs_entry_jumppad:
0x0: {  	(pc) =	sbr.rel $0x88, $3  }
0x1: {  	(tag) =	ssettag $0x0;
	lr =	simm.s32 $0x1  }
0x2: {  	[smem:$0x3F97] =	sst lr;
	_ =	strace $0xD0000000  }
0x3: {  	_ = 	snop  }
0x4: {  	_ = 	snop  }
0x5: {  	_ = 	snop  }
0x6: {  	_ = 	snop  }
0x7: {  	_ = 	snop  }
__scs_overlays_trampoline_lowered:
0x8: {  	[smem:$0x3FA6] =	sst s0  }
0x9: {  	[smem:$0x3FA7] =	sst s1  }
0xa: {  	[smem:$0x3FA8] =	sst s2  }
0xb: {  	[smem:$0x3FA9] =	sst s3  }
0xc: {  	[smem:$0x3FAA] =	sst s4  }
0xd: {  	[smem:$0x3FAB] =	sst s5  }
0xe: {  	[smem:$0x3FAC] =	sst s6  }
0xf: {  	[smem:$0x3FAD] =	sst s7  }
0x10: {  	[smem:$0x3FAE] =	sst s8  }
0x11: {  	[smem:$0x3FAF] =	sst s9;
	s0 =	simm.s32 @!p0 $0x0  }
0x12: {  	s1 =	sld [smem:$0x3F95];
	s0 =	simm.s32 @p0 $0x1  }
0x13: {  	[smem:$0x3FB0] =	sst s0;
	s0 =	simm.s32 @!p1 $0x0  }
0x14: {  	s2 =	sld [smem:$0x3F94];
	s0 =	simm.s32 @p1 $0x1  }
0x15: {  	[smem:$0x3FB1] =	sst s0;
	s0 =	simm.s32 @!p2 $0x0  }
0x16: {  	s3 =	sld [smem:$0x3FDB];
	s0 =	simm.s32 @p2 $0x1  }
0x17: {  	s4 =	simm.s32 $0x1BF5;
	[smem:$0x3FB3] =	sst s0  }
0x18: {  	s0 =	sld [smem:$0x3F96];
	_ =	swait.ge [sflag:s4], $0x0  }
0x19: {  	s7 =	sld [smem:$0x3F97]  }
0x1a: {  	s8 =	sadd.s32 $0xFFFFE003, lr  }
0x1b: {  	s9 =	sadd.s32 $0xFFFFFEF7, lr;
	s5 =	simm.s32 $0xFFFFFFFF;
	p2 =	slt.u32 s8, $0xFFFFF086  }
0x1c: {  	p1 =	slt.u32 s9, $0xF7A;
	s5 =	simm.s32 @!p2 $0x0  }
0x1d: {  	s5 =	simm.s32 @p1 $0x1;
	p0 =	seq.s32 s7, s2  }
0x1e: {  	s7 =	smul.u32 @!p0 $0xF7A, s2;
	p2 =	seq.s32 @!p0 s5, $0x0  }
0x1f: {  	s9 =	smul.u32 $0xF7A, s1;
	s8 =	simm.s32 @!p0 $0x1BF5;
	p2 =	por !p2, p0  }
0x20: {  	[sflag:s8] =	ssyncset.s32 @!p0 $0xFFFFF086;
	s6 =	sadd.s32 @!p0 s3, s7;
	s7 =	simm.s32 @!p0 $0x108  }
0x21: {  	s3 =	sadd.s32 s3, s9;
	s6 =	sadd.s32 @!p0 $0x88, s6;
	s7 =	simm.s32 @p2 $0x1082  }
0x22: {  	[simem:s7], [sflag:s8] =	dma.local @!p0 [hbm:s6], $0xF7A  }
0x23: {  	s9 =	sor.u32 $0xD0000000, s2;
	s6 =	simm.s32 $0x108;
	_ =	swait.ge @!p0 [sflag:s8], $0x0  }
0x24: {  	s3 =	sadd.s32 $0x88, s3;
	s6 =	simm.s32 @!p1 $0x1082;
	[sflag:s4] =	ssyncset.s32 $0xFFFFF086  }
0x25: {  	[simem:s6], [sflag:s4] =	dma.local [hbm:s3], $0xF7A  }
0x26: {  	[smem:$0x3F97] =	sst s1;
	(tag) =	ssettag s2;
	_ =	strace s9  }
0x27: {  	s1 =	sld [smem:$0x3FA7]  }
0x28: {  	s2 =	sld [smem:$0x3FA8]  }
0x29: {  	s4 =	sld [smem:$0x3FAA]  }
0x2a: {  	p0 =	seq.s32 s5, $0x0;
	s5 =	sld [smem:$0x3FAB]  }
0x2b: {  	s6 =	sld [smem:$0x3FAC]  }
0x2c: {  	s7 =	sld [smem:$0x3FAD]  }
0x2d: {  	s3 =	simm.s32 $0x108;
	s8 =	sld [smem:$0x3FAE]  }
0x2e: {  	s3 =	simm.s32 @!p0 $0x1082;
	s9 =	sld [smem:$0x3FAF]  }
0x2f: {  	lr =	sadd.s32 s0, s3;
	s0 =	sld [smem:$0x3FA6]  }
0x30: {  	s3 =	sld [smem:$0x3FA9]  }
0x31: {  	[smem:$0x3FB2] =	sst s10  }
0x32: {  	s10 =	sld [smem:$0x3FB0];
	_ =	sdelay $0x3  }
0x33: {  	p0 =	seq.s32 s10, $0x1;
	s10 =	sld [smem:$0x3FB2];
	_ =	sdelay $0x3  }
0x34: {  	[smem:$0x3FB2] =	sst s10  }
0x35: {  	s10 =	sld [smem:$0x3FB1];
	_ =	sdelay $0x3  }
0x36: {  	p1 =	seq.s32 s10, $0x1;
	s10 =	sld [smem:$0x3FB2];
	_ =	sdelay $0x3  }
0x37: {  	[smem:$0x3FB2] =	sst s10  }
0x38: {  	s10 =	sld [smem:$0x3FB3]  }
0x39: {  	_ = 	snop;
	(pc) =	sbr.ind lr, $3  }
0x3a: {  	_ = 	snop  }
0x3b: {  	_ = 	snop  }
0x3c: {  	p2 =	seq.s32 s10, $0x1;
	s10 =	sld [smem:$0x3FB2]  }
0x3d: {  	_ =	shalt  }
0x3e: {  	_ =	shalt  }
0x3f: {  	_ =	shalt  }
0x40: {  	_ =	shalt  }
0x41: {  	_ =	shalt  }
0x42: {  	_ =	shalt  }
0x43: {  	_ =	shalt  }
0x44: {  	_ =	shalt  }
0x45: {  	_ =	shalt  }
0x46: {  	_ =	shalt  }
0x47: {  	_ =	shalt  }
0x48: {  	_ =	shalt  }
0x49: {  	_ =	shalt  }
0x4a: {  	_ =	shalt  }
0x4b: {  	_ =	shalt  }
0x4c: {  	_ =	shalt  }
0x4d: {  	_ =	shalt  }
0x4e: {  	_ =	shalt  }
0x4f: {  	_ =	shalt  }
0x50: {  	_ =	shalt  }
0x51: {  	_ =	shalt  }
0x52: {  	_ =	shalt  }
0x53: {  	_ =	shalt  }
0x54: {  	_ =	shalt  }
0x55: {  	_ =	shalt  }
0x56: {  	_ =	shalt  }
0x57: {  	_ =	shalt  }
0x58: {  	_ =	shalt  }
0x59: {  	_ =	shalt  }
0x5a: {  	_ =	shalt  }
0x5b: {  	_ =	shalt  }
0x5c: {  	_ =	shalt  }
0x5d: {  	_ =	shalt  }
0x5e: {  	_ =	shalt  }
0x5f: {  	_ =	shalt  }
0x60: {  	_ =	shalt  }
0x61: {  	_ =	shalt  }
0x62: {  	_ =	shalt  }
0x63: {  	_ =	shalt  }
0x64: {  	_ =	shalt  }
0x65: {  	_ =	shalt  }
0x66: {  	_ =	shalt  }
0x67: {  	_ =	shalt  }
0x68: {  	_ =	shalt  }
0x69: {  	_ =	shalt  }
0x6a: {  	_ =	shalt  }
0x6b: {  	_ =	shalt  }
0x6c: {  	_ =	shalt  }
0x6d: {  	_ =	shalt  }
0x6e: {  	_ =	shalt  }
0x6f: {  	_ =	shalt  }
0x70: {  	_ =	shalt  }
0x71: {  	_ =	shalt  }
0x72: {  	_ =	shalt  }
0x73: {  	_ =	shalt  }
0x74: {  	_ =	shalt  }
0x75: {  	_ =	shalt  }
0x76: {  	_ =	shalt  }
0x77: {  	_ =	shalt  }
0x78: {  	_ =	shalt  }
0x79: {  	_ =	shalt  }
0x7a: {  	_ =	shalt  }
0x7b: {  	_ =	shalt  }
0x7c: {  	_ =	shalt  }
0x7d: {  	_ =	shalt  }
0x7e: {  	_ =	shalt  }
0x7f: {  	_ =	shalt  }
0x80: {  	_ =	shalt  }
0x81: {  	_ =	shalt  }
0x82: {  	_ =	shalt  }
0x83: {  	_ =	shalt  }
0x84: {  	_ =	shalt  }
0x85: {  	_ =	shalt  }
0x86: {  	_ =	shalt  }
0x87: {  	_ =	shalt  }
.Lfunc_end0:
.L_simem_size_0:
called_computation_lowered:
.L_overlay_start_0:
0x88: {  	s2 =	sld [smem:$0x3FD9]  }
0x89: {  	s3 =	sld [smem:$0x3FFE];
	_ =	sdelay $0x1  }
0x8a: {  	s1 =	srdreg.scid  }
0x8b: {  	s0 =	sand.u32 $0x1, s1  }
0x8c: {  	s17 =	sshll.u32 s0, $0xA;
	s2 =	sadd.s32 s3, s2  }
0x8d: {  	s2 =	sadd.s32 s2, s17  }
0x8e: {  	[smem:$0x3FBE] =	sst s2  }
0x8f: {  	_ = 	snop  }
0x90: {  	s2 =	sld [smem:$0x3FC7];
	(tm) =	ssettm $0x1  }
0x91: {  	s18 =	sld [smem:$0x3FFB];
	_ =	sdelay $0x3  }
0x92: {  	_ =	strace s18  }
0x93: {  	s3 =	sld [smem:$0x3FFC];
	_ =	sdelay $0x3  }
0x94: {  	_ =	strace s3  }
0x95: {  	s3 =	sld [smem:$0x3FFD];
	_ =	sdelay $0x3  }
0x96: {  	_ =	strace s3  }
0x97: {  	_ =	strace $0x8FFFFFFF  }
0x98: {  	s19 =	sld [smem:$0x3FDB];
	_ =	sdelay $0x1  }
0x99: {  	s4 =	simm.s32 $_scs_section_size  }
0x9a: {  	s5 =	simm.s32 $_size__tile_overlayer_lowered;
	s6 =	simm.s32 $_tile_overlayer_lowered  }
0x9b: {  	s22 =	simm.s32 $0x1BFF;
	s21 =	sshll.u32 s6, $0x1;
	s3 =	sadd.s32 s4, s19  }
0x9c: {  	s7 =	simm.s32 $0x0;
	s20 =	sshll.u32 s5, $0x1;
	s5 =	sadd.s32 s21, s3  }
0x9d: {  	[timem:s7], [sflag:s22] =	dma.local [hbm:s5], s20  }
0x9e: {  	_ =	swait.ge [sflag:s22], s20  }
0x9f: {  	s4 =	ssub.s32 $0x0, s20;
	[sflag:s22] =	ssyncset.done $0x0  }
0xa0: {  	[sflag:s22] =	ssyncadd.s32 s4;
	_ =	sdelay $0x1  }
0xa1: {  	s23 =	simm.s32 $0x1B8B  }
0xa2: {  	_ =	swait.ge [sflag:s23], $0x1  }
0xa3: {  	[sflag:s23] =	ssyncset.done $0x0  }
0xa4: {  	s25 =	simm.s32 $0x1B8E;
	s24 =	sld [smem:$0x3FFE];
	[sflag:s23] =	ssyncadd.s32 $0xFFFFFFFF  }
0xa5: {  	s26 =	simm.s32 $execute0_lowered;
	[smem:$0x3FD2] =	sst s25  }
0xa6: {  	s5 =	sshll.u32 s26, $0x1;
	_ =	strace $0x80000046;
	[dreg:$0x1] =	wrdreg $0xFFFFFFFF  }
0xa7: {  	s28 =	simm.s32 $_size_execute0_lowered;
	s3 =	sadd.s32 s3, s5;
	[dreg:$0x0] =	wrdreg $0x0  }
0xa8: {  	s5 =	sshll.u32 s28, $0x1;
	[dreg:$0x2] =	wrdreg s3  }
0xa9: {  	[dreg:$0x3] =	wrdreg s5  }
0xaa: {  	[dreg:$0x4] =	wrdreg $0xC0  }
0xab: {  	_ =	task [dreg:s7], $0x5FFFF  }
0xac: {  	[dreg:$0x1] =	wrdreg $0xFFFFFFFF  }
0xad: {  	[dreg:$0x0] =	wrdreg $0x60  }
0xae: {  	[dreg:$0x2] =	wrdreg s24  }
0xaf: {  	[dreg:$0x3] =	wrdreg s2  }
0xb0: {  	[dreg:$0x4] =	wrdreg $0x9  }
0xb1: {  	_ =	task.clear_ibuf [dreg:s7], $0x5FFFF;
	_ =	strace $0x90000046  }
0xb2: {  	s29 =	simm.s32 $0x9;
	_ =	strace $0x80000048  }
0xb3: {  	_ =	swait.ge [sflag:s29], $0x1  }
0xb4: {  	[sflag:s29] =	ssyncadd.s32 $0xFFFFFFFF  }
0xb5: {  	_ =	strace $0x90000048  }
0xb6: {  	_ =	sfence  }
0xb7: {  	s30 =	sld [smem:$0x0];
	_ =	sdelay $0x2  }
0xb8: {  	s31 =	sshll.u32 s1, $0xD;
	s1 =	sshrl.u32 s1, $0x2  }
0xb9: {  	s3 =	sand.u32 $0x4000, s31;
	s1 =	sadd.s32 s1, s30  }
0xba: {  	s0 =	sor.u32 s3, s0;
	s1 =	sshll.u32 s1, $0x11  }
0xbb: {  	s0 =	sor.u32 s1, s0  }
0xbc: {  	s0 =	sadd.s32 $0x8F2B, s0  }
0xbd: {  	[sflag:s0] =	ssyncadd.remote.s32 $0x1  }
0xbe: {  	_ =	sfence.sel $0xFFFF  }
0xbf: {  	[dreg:$0x0] =	wrdreg $0xFFFFFFFF;
	(pc) =	sbr.abs _section_cstart, $3  }
0xc0: {  	[dreg:$0x1] =	wrdreg $0xFFFFFFFF  }
0xc1: {  	_ =	task.clear_ibuf [dreg:s7], $0x2FFFF;
	_ =	strace $0x9FFFFFFF  }
0xc2: {  	(tm) =	ssettm $0x7FFFFFFF  }
0xc3: {  	_ =	shalt  }
tec
execute0_lowered:
.L_overlay_start_1:
0x0: {  	(tag) =	ssettag $0x1  }
0x1: {  	s1 =	srdreg.scid;
	s0 =	stileid.u32  }
0x2: {  	s17 =	sand.u32 $0x1, s1;
	s26 =	sshll.u32 s0, $0x1  }
0x3: {  	s9 =	rddreg [dreg:$0x0];
	s10 =	sor.u32 s17, s26  }
0x4: {  	s2 =	rddreg [dreg:$0x1];
	s18 =	smul.u32 $0x140, s10  }
0x5: {  	s3 =	simm.s32 $0x0;
	s1 =	rddreg [dreg:$0x2]  }
0x6: {  	[smem:$0x7FF] =	sst s3;
	s16 =	sadd.s32 $0x1600, s9;
	s4 =	sshrl.u32 s18, $0x3  }
0x7: {  	_ =	strace $0x80000047;
	s5 =	sadd.s32 s16, s4;
	s4 =	simm.s32 $0x2  }
0x8: {  	[tilespmem:s3], [sflag:$0x2] =	stream.linear.gather [hbm4b:s5+s3], $0x40, $0x38;
	[tilespmem:$0x2080] =	vst v63  }
0x9: {  	_ =	swait.ge [sflag:s4], $0x40  }
0xa: {  	s6 =	simm.s32 $0x40;
	[sflag:s4] =	ssyncset.done $0x0  }
0xb: {  	s7 =	simm.s32 $0x80;
	s8 =	simm.s32 $0x1;
	[sflag:s4] =	ssyncadd.s32 $0xFFFFFFC0  }
0xc: {  	[tilespmem:s7], [sflag:$0x1] =	stream.indirect.gather [hbm4b:s2+s6], $0x80, s3, s6, $0xb8;
	[tilespmem:$0x2080] =	vst v63  }
0xd: {  	s10 =	smul.u32 $0x1400, s10;
	_ =	swait.ge [sflag:s8], $0x2000  }
0xe: {  	s19 =	sadd.s32 $0x1C00, s9;
	[sflag:s8] =	ssyncset.done $0x0  }
0xf: {  	s9 =	sadd.s32 s19, s10;
	[sflag:s8] =	ssyncadd.s32 $0xFFFFE000  }
0x10: {  	[hbm4b:s9+s3] =	stream.linear.scatter [tilespmem:s7], [sflag:$0x2], $0x2000, $0x38;
	[tilespmem:$0x2080] =	vst v63  }
0x11: {  	s11 =	sadd.s32 $0x40, s18;
	_ =	swait.ge [sflag:s4], $0x2000  }
0x12: {  	s28 =	sshrl.u32 s11, $0x3;
	[sflag:s4] =	ssyncset.done $0x0  }
0x13: {  	s10 =	sadd.s32 s16, s28;
	[sflag:s4] =	ssyncadd.s32 $0xFFFFE000  }
0x14: {  	[tilespmem:s3], [sflag:$0x2] =	stream.linear.gather [hbm4b:s10+s3], $0x40, $0x38;
	[tilespmem:$0x2080] =	vst v63  }
0x15: {  	_ =	swait.ge [sflag:s4], $0x40  }
0x16: {  	[sflag:s4] =	ssyncset.done $0x0  }
0x17: {  	[sflag:s4] =	ssyncadd.s32 $0xFFFFFFC0  }
0x18: {  	[tilespmem:s7], [sflag:$0x1] =	stream.indirect.gather [hbm4b:s2+s6], $0x80, s3, s6, $0xb8;
	[tilespmem:$0x2080] =	vst v63  }
0x19: {  	_ =	swait.ge [sflag:s8], $0x2000  }
0x1a: {  	s11 =	sshll.u32 s11, $0x4;
	[sflag:s8] =	ssyncset.done $0x0  }
0x1b: {  	s11 =	sadd.s32 s19, s11;
	[sflag:s8] =	ssyncadd.s32 $0xFFFFE000  }
0x1c: {  	[hbm4b:s11+s3] =	stream.linear.scatter [tilespmem:s7], [sflag:$0x2], $0x2000, $0x38;
	[tilespmem:$0x2080] =	vst v63  }
0x1d: {  	s13 =	sadd.s32 $0x80, s18;
	_ =	swait.ge [sflag:s4], $0x2000  }
0x1e: {  	s12 =	sshrl.u32 s13, $0x3;
	[sflag:s4] =	ssyncset.done $0x0  }
0x1f: {  	s12 =	sadd.s32 s16, s12;
	[sflag:s4] =	ssyncadd.s32 $0xFFFFE000  }
0x20: {  	[tilespmem:s3], [sflag:$0x2] =	stream.linear.gather [hbm4b:s12+s3], $0x40, $0x38;
	[tilespmem:$0x2080] =	vst v63  }
0x21: {  	_ =	swait.ge [sflag:s4], $0x40  }
0x22: {  	[sflag:s4] =	ssyncset.done $0x0  }
0x23: {  	[sflag:s4] =	ssyncadd.s32 $0xFFFFFFC0  }
0x24: {  	[tilespmem:s7], [sflag:$0x1] =	stream.indirect.gather [hbm4b:s2+s6], $0x80, s3, s6, $0xb8;
	[tilespmem:$0x2080] =	vst v63  }
0x25: {  	_ =	swait.ge [sflag:s8], $0x2000  }
0x26: {  	s13 =	sshll.u32 s13, $0x4;
	[sflag:s8] =	ssyncset.done $0x0  }
0x27: {  	s13 =	sadd.s32 s19, s13;
	[sflag:s8] =	ssyncadd.s32 $0xFFFFE000  }
0x28: {  	[hbm4b:s13+s3] =	stream.linear.scatter [tilespmem:s7], [sflag:$0x2], $0x2000, $0x38;
	[tilespmem:$0x2080] =	vst v63  }
0x29: {  	s15 =	sadd.s32 $0xC0, s18;
	_ =	swait.ge [sflag:s4], $0x2000  }
0x2a: {  	s14 =	sshrl.u32 s15, $0x3;
	[sflag:s4] =	ssyncset.done $0x0  }
0x2b: {  	s14 =	sadd.s32 s16, s14;
	[sflag:s4] =	ssyncadd.s32 $0xFFFFE000  }
0x2c: {  	[tilespmem:s3], [sflag:$0x2] =	stream.linear.gather [hbm4b:s14+s3], $0x40, $0x38;
	[tilespmem:$0x2080] =	vst v63  }
0x2d: {  	_ =	swait.ge [sflag:s4], $0x40  }
0x2e: {  	[sflag:s4] =	ssyncset.done $0x0  }
0x2f: {  	[sflag:s4] =	ssyncadd.s32 $0xFFFFFFC0  }
0x30: {  	[tilespmem:s7], [sflag:$0x1] =	stream.indirect.gather [hbm4b:s2+s6], $0x80, s3, s6, $0xb8;
	[tilespmem:$0x2080] =	vst v63  }
0x31: {  	_ =	swait.ge [sflag:s8], $0x2000  }
0x32: {  	s15 =	sshll.u32 s15, $0x4;
	[sflag:s8] =	ssyncset.done $0x0  }
0x33: {  	s15 =	sadd.s32 s19, s15;
	[sflag:s8] =	ssyncadd.s32 $0xFFFFE000  }
0x34: {  	[hbm4b:s15+s3] =	stream.linear.scatter [tilespmem:s7], [sflag:$0x2], $0x2000, $0x38;
	[tilespmem:$0x2080] =	vst v63  }
0x35: {  	s18 =	sadd.s32 $0x100, s18;
	_ =	swait.ge [sflag:s4], $0x2000  }
0x36: {  	s20 =	sshrl.u32 s18, $0x3;
	[sflag:s4] =	ssyncset.done $0x0  }
0x37: {  	s17 =	ssub.s32 $0x2, s17;
	s16 =	sadd.s32 s16, s20;
	[sflag:s4] =	ssyncadd.s32 $0xFFFFE000  }
0x38: {  	[tilespmem:s3], [sflag:$0x2] =	stream.linear.gather [hbm4b:s16+s3], $0x40, $0x38;
	[tilespmem:$0x2080] =	vst v63  }
0x39: {  	s29 =	sshrl.u32 s17, $0x1;
	_ =	swait.ge [sflag:s4], $0x40  }
0x3a: {  	s20 =	ssub.s32 s17, s29;
	[sflag:s4] =	ssyncset.done $0x0  }
0x3b: {  	s31 =	smax.u32 s20, $0x1;
	[sflag:s4] =	ssyncadd.s32 $0xFFFFFFC0  }
0x3c: {  	[tilespmem:s7], [sflag:$0x1] =	stream.indirect.gather [hbm4b:s2+s6], $0x80, s3, s6, $0xb8;
	[tilespmem:$0x2080] =	vst v63  }
0x3d: {  	p0 =	sne.s32 s31, $0x1;
	_ =	swait.ge [sflag:s8], $0x2000  }
.Ltmp0:
0x3e: {  	s30 =	sshll.u32 s18, $0x4;
	[sflag:s8] =	ssyncset.done $0x0;
	(pc) =	sbr.rel @!p0 .LBB2_2-.Ltmp0, $4  }
0x3f: {  	s17 =	sadd.s32 s19, s30;
	[sflag:s8] =	ssyncadd.s32 $0xFFFFE000  }
0x40: {  	[hbm4b:s17+s3] =	stream.linear.scatter [tilespmem:s7], [sflag:$0x2], $0x2000, $0x38;
	[tilespmem:$0x2080] =	vst v63  }
0x41: {  	_ =	swait.ge [sflag:s4], $0x2000  }
0x42: {  	s18 =	sadd.s32 $0xFFFFFFFF, s31;
	[sflag:s4] =	ssyncset.done $0x0  }
.LBB2_1:
0x43: {  	p0 =	sne.s32 s18, $0x1;
	s18 =	sadd.s32 $0xFFFFFFFF, s18;
	[sflag:s4] =	ssyncadd.s32 $0xFFFFE000  }
0x44: {  	[tilespmem:s3], [sflag:$0x2] =	stream.linear.gather [hbm4b:s5+s3], $0x40, $0x38;
	[tilespmem:$0x2080] =	vst v63  }
0x45: {  	_ =	swait.ge [sflag:s4], $0x40  }
0x46: {  	[sflag:s4] =	ssyncset.done $0x0  }
0x47: {  	[sflag:s4] =	ssyncadd.s32 $0xFFFFFFC0  }
0x48: {  	[tilespmem:s7], [sflag:$0x1] =	stream.indirect.gather [hbm4b:s2+s6], $0x80, s3, s6, $0xb8;
	[tilespmem:$0x2080] =	vst v63  }
0x49: {  	_ =	swait.ge [sflag:s8], $0x2000  }
0x4a: {  	[sflag:s8] =	ssyncset.done $0x0  }
0x4b: {  	[sflag:s8] =	ssyncadd.s32 $0xFFFFE000  }
0x4c: {  	[hbm4b:s9+s3] =	stream.linear.scatter [tilespmem:s7], [sflag:$0x2], $0x2000, $0x38;
	[tilespmem:$0x2080] =	vst v63  }
0x4d: {  	_ =	swait.ge [sflag:s4], $0x2000  }
0x4e: {  	[sflag:s4] =	ssyncset.done $0x0  }
0x4f: {  	[sflag:s4] =	ssyncadd.s32 $0xFFFFE000  }
0x50: {  	[tilespmem:s3], [sflag:$0x2] =	stream.linear.gather [hbm4b:s10+s3], $0x40, $0x38;
	[tilespmem:$0x2080] =	vst v63  }
0x51: {  	_ =	swait.ge [sflag:s4], $0x40  }
0x52: {  	[sflag:s4] =	ssyncset.done $0x0  }
0x53: {  	[sflag:s4] =	ssyncadd.s32 $0xFFFFFFC0  }
0x54: {  	[tilespmem:s7], [sflag:$0x1] =	stream.indirect.gather [hbm4b:s2+s6], $0x80, s3, s6, $0xb8;
	[tilespmem:$0x2080] =	vst v63  }
0x55: {  	_ =	swait.ge [sflag:s8], $0x2000  }
0x56: {  	[sflag:s8] =	ssyncset.done $0x0  }
0x57: {  	[sflag:s8] =	ssyncadd.s32 $0xFFFFE000  }
0x58: {  	[hbm4b:s11+s3] =	stream.linear.scatter [tilespmem:s7], [sflag:$0x2], $0x2000, $0x38;
	[tilespmem:$0x2080] =	vst v63  }
0x59: {  	_ =	swait.ge [sflag:s4], $0x2000  }
0x5a: {  	[sflag:s4] =	ssyncset.done $0x0  }
0x5b: {  	[sflag:s4] =	ssyncadd.s32 $0xFFFFE000  }
0x5c: {  	[tilespmem:s3], [sflag:$0x2] =	stream.linear.gather [hbm4b:s12+s3], $0x40, $0x38;
	[tilespmem:$0x2080] =	vst v63  }
0x5d: {  	_ =	swait.ge [sflag:s4], $0x40  }
0x5e: {  	[sflag:s4] =	ssyncset.done $0x0  }
0x5f: {  	[sflag:s4] =	ssyncadd.s32 $0xFFFFFFC0  }
0x60: {  	[tilespmem:s7], [sflag:$0x1] =	stream.indirect.gather [hbm4b:s2+s6], $0x80, s3, s6, $0xb8;
	[tilespmem:$0x2080] =	vst v63  }
0x61: {  	_ =	swait.ge [sflag:s8], $0x2000  }
0x62: {  	[sflag:s8] =	ssyncset.done $0x0  }
0x63: {  	[sflag:s8] =	ssyncadd.s32 $0xFFFFE000  }
0x64: {  	[hbm4b:s13+s3] =	stream.linear.scatter [tilespmem:s7], [sflag:$0x2], $0x2000, $0x38;
	[tilespmem:$0x2080] =	vst v63  }
0x65: {  	_ =	swait.ge [sflag:s4], $0x2000  }
0x66: {  	[sflag:s4] =	ssyncset.done $0x0  }
0x67: {  	[sflag:s4] =	ssyncadd.s32 $0xFFFFE000  }
0x68: {  	[tilespmem:s3], [sflag:$0x2] =	stream.linear.gather [hbm4b:s14+s3], $0x40, $0x38;
	[tilespmem:$0x2080] =	vst v63  }
0x69: {  	_ =	swait.ge [sflag:s4], $0x40  }
0x6a: {  	[sflag:s4] =	ssyncset.done $0x0  }
0x6b: {  	[sflag:s4] =	ssyncadd.s32 $0xFFFFFFC0  }
0x6c: {  	[tilespmem:s7], [sflag:$0x1] =	stream.indirect.gather [hbm4b:s2+s6], $0x80, s3, s6, $0xb8;
	[tilespmem:$0x2080] =	vst v63  }
0x6d: {  	_ =	swait.ge [sflag:s8], $0x2000  }
0x6e: {  	[sflag:s8] =	ssyncset.done $0x0  }
0x6f: {  	[sflag:s8] =	ssyncadd.s32 $0xFFFFE000  }
0x70: {  	[hbm4b:s15+s3] =	stream.linear.scatter [tilespmem:s7], [sflag:$0x2], $0x2000, $0x38;
	[tilespmem:$0x2080] =	vst v63  }
0x71: {  	_ =	swait.ge [sflag:s4], $0x2000  }
0x72: {  	[sflag:s4] =	ssyncset.done $0x0  }
0x73: {  	[sflag:s4] =	ssyncadd.s32 $0xFFFFE000  }
0x74: {  	[tilespmem:s3], [sflag:$0x2] =	stream.linear.gather [hbm4b:s16+s3], $0x40, $0x38;
	[tilespmem:$0x2080] =	vst v63  }
0x75: {  	_ =	swait.ge [sflag:s4], $0x40  }
0x76: {  	[sflag:s4] =	ssyncset.done $0x0  }
0x77: {  	[sflag:s4] =	ssyncadd.s32 $0xFFFFFFC0  }
0x78: {  	[tilespmem:s7], [sflag:$0x1] =	stream.indirect.gather [hbm4b:s2+s6], $0x80, s3, s6, $0xb8;
	[tilespmem:$0x2080] =	vst v63  }
0x79: {  	_ =	swait.ge [sflag:s8], $0x2000  }
.Ltmp1:
0x7a: {  	[sflag:s8] =	ssyncset.done $0x0;
	(pc) =	sbr.rel @p0 .LBB2_1-.Ltmp1, $4  }
0x7b: {  	[sflag:s8] =	ssyncadd.s32 $0xFFFFE000  }
0x7c: {  	[hbm4b:s17+s3] =	stream.linear.scatter [tilespmem:s7], [sflag:$0x2], $0x2000, $0x38;
	[tilespmem:$0x2080] =	vst v63  }
0x7d: {  	_ =	swait.ge [sflag:s4], $0x2000  }
0x7e: {  	[sflag:s4] =	ssyncset.done $0x0  }
.LBB2_2:
0x7f: {  	[sflag:s4] =	ssyncadd.s32 $0xFFFFE000  }
0x80: {  	_ =	sfence.sel $0x180000  }
0x81: {  	[bflag:$0x0] =	sbarrier.arrive $0xFFFF  }
0x82: {  	p0 =	sne.s32 s0, $0x0;
	_ =	strace $0x90000047  }
0x83: {  	s0 =	sadd.s32 @!p0 $0x100000, s1;
	[bflag:$0x2] =	sbarrier.arrive $0xFFFF  }
0x84: {  	[sflag:s0] =	ssyncadd.tile.s32 @!p0 $0x1;
	_ =	shalt  }
.Lfunc_end2:
_tile_overlayer_lowered:
.L_overlay_start_2:
0x85: {  	(tag) =	ssettag $0x2  }
0x86: {  	s0 =	rddreg [dreg:$0x0];
	s2 =	stileid.u32  }
0x87: {  	s1 =	rddreg [dreg:$0x1];
	p0 =	sne.s32 s2, $0x0  }
0x88: {  	s3 =	rddreg [dreg:$0x2];
	[bflag:$0x3] =	sbarrier.arrive $0xFFFF;
	s2 =	simm.s32 @!p0 $0x1C02  }
0x89: {  	[timem:s3], [sflag:s2] =	dma.local @!p0 [hbm:s0], s1  }
0x8a: {  	s0 =	simm.s32 @!p0 $0x2  }
0x8b: {  	_ =	swait.ge @!p0 [sflag:s0], s1  }
0x8c: {  	s1 =	ssub.s32 @!p0 $0x0, s1;
	[sflag:s0] =	ssyncset.done @!p0 $0x0  }
0x8d: {  	[sflag:s0] =	ssyncadd.s32 @!p0 s1  }
0x8e: {  	[bflag:$0x3] =	sbarrier.arrive $0xFFFF  }
0x8f: {  	_ =	shalt  }

// kernel: kernel.9.cloned.1.call-start
scs
__scs_entry_jumppad:
0x0: {  	(pc) =	sbr.rel $0x88, $3  }
0x1: {  	(tag) =	ssettag $0x0;
	lr =	simm.s32 $0x1  }
0x2: {  	[smem:$0x3F97] =	sst lr;
	_ =	strace $0xD0000000  }
0x3: {  	_ = 	snop  }
0x4: {  	_ = 	snop  }
0x5: {  	_ = 	snop  }
0x6: {  	_ = 	snop  }
0x7: {  	_ = 	snop  }
__scs_overlays_trampoline_lowered:
0x8: {  	[smem:$0x3FA6] =	sst s0  }
0x9: {  	[smem:$0x3FA7] =	sst s1  }
0xa: {  	[smem:$0x3FA8] =	sst s2  }
0xb: {  	[smem:$0x3FA9] =	sst s3  }
0xc: {  	[smem:$0x3FAA] =	sst s4  }
0xd: {  	[smem:$0x3FAB] =	sst s5  }
0xe: {  	[smem:$0x3FAC] =	sst s6  }
0xf: {  	[smem:$0x3FAD] =	sst s7  }
0x10: {  	[smem:$0x3FAE] =	sst s8  }
0x11: {  	[smem:$0x3FAF] =	sst s9;
	s0 =	simm.s32 @!p0 $0x0  }
0x12: {  	s1 =	sld [smem:$0x3F95];
	s0 =	simm.s32 @p0 $0x1  }
0x13: {  	[smem:$0x3FB0] =	sst s0;
	s0 =	simm.s32 @!p1 $0x0  }
0x14: {  	s2 =	sld [smem:$0x3F94];
	s0 =	simm.s32 @p1 $0x1  }
0x15: {  	[smem:$0x3FB1] =	sst s0;
	s0 =	simm.s32 @!p2 $0x0  }
0x16: {  	s3 =	sld [smem:$0x3FDB];
	s0 =	simm.s32 @p2 $0x1  }
0x17: {  	s4 =	simm.s32 $0x1BF5;
	[smem:$0x3FB3] =	sst s0  }
0x18: {  	s0 =	sld [smem:$0x3F96];
	_ =	swait.ge [sflag:s4], $0x0  }
0x19: {  	s7 =	sld [smem:$0x3F97]  }
0x1a: {  	s8 =	sadd.s32 $0xFFFFE003, lr  }
0x1b: {  	s9 =	sadd.s32 $0xFFFFFEF7, lr;
	s5 =	simm.s32 $0xFFFFFFFF;
	p2 =	slt.u32 s8, $0xFFFFF086  }
0x1c: {  	p1 =	slt.u32 s9, $0xF7A;
	s5 =	simm.s32 @!p2 $0x0  }
0x1d: {  	s5 =	simm.s32 @p1 $0x1;
	p0 =	seq.s32 s7, s2  }
0x1e: {  	s7 =	smul.u32 @!p0 $0xF7A, s2;
	p2 =	seq.s32 @!p0 s5, $0x0  }
0x1f: {  	s9 =	smul.u32 $0xF7A, s1;
	s8 =	simm.s32 @!p0 $0x1BF5;
	p2 =	por !p2, p0  }
0x20: {  	[sflag:s8] =	ssyncset.s32 @!p0 $0xFFFFF086;
	s6 =	sadd.s32 @!p0 s3, s7;
	s7 =	simm.s32 @!p0 $0x108  }
0x21: {  	s3 =	sadd.s32 s3, s9;
	s6 =	sadd.s32 @!p0 $0x88, s6;
	s7 =	simm.s32 @p2 $0x1082  }
0x22: {  	[simem:s7], [sflag:s8] =	dma.local @!p0 [hbm:s6], $0xF7A  }
0x23: {  	s9 =	sor.u32 $0xD0000000, s2;
	s6 =	simm.s32 $0x108;
	_ =	swait.ge @!p0 [sflag:s8], $0x0  }
0x24: {  	s3 =	sadd.s32 $0x88, s3;
	s6 =	simm.s32 @!p1 $0x1082;
	[sflag:s4] =	ssyncset.s32 $0xFFFFF086  }
0x25: {  	[simem:s6], [sflag:s4] =	dma.local [hbm:s3], $0xF7A  }
0x26: {  	[smem:$0x3F97] =	sst s1;
	(tag) =	ssettag s2;
	_ =	strace s9  }
0x27: {  	s1 =	sld [smem:$0x3FA7]  }
0x28: {  	s2 =	sld [smem:$0x3FA8]  }
0x29: {  	s4 =	sld [smem:$0x3FAA]  }
0x2a: {  	p0 =	seq.s32 s5, $0x0;
	s5 =	sld [smem:$0x3FAB]  }
0x2b: {  	s6 =	sld [smem:$0x3FAC]  }
0x2c: {  	s7 =	sld [smem:$0x3FAD]  }
0x2d: {  	s3 =	simm.s32 $0x108;
	s8 =	sld [smem:$0x3FAE]  }
0x2e: {  	s3 =	simm.s32 @!p0 $0x1082;
	s9 =	sld [smem:$0x3FAF]  }
0x2f: {  	lr =	sadd.s32 s0, s3;
	s0 =	sld [smem:$0x3FA6]  }
0x30: {  	s3 =	sld [smem:$0x3FA9]  }
0x31: {  	[smem:$0x3FB2] =	sst s10  }
0x32: {  	s10 =	sld [smem:$0x3FB0];
	_ =	sdelay $0x3  }
0x33: {  	p0 =	seq.s32 s10, $0x1;
	s10 =	sld [smem:$0x3FB2];
	_ =	sdelay $0x3  }
0x34: {  	[smem:$0x3FB2] =	sst s10  }
0x35: {  	s10 =	sld [smem:$0x3FB1];
	_ =	sdelay $0x3  }
0x36: {  	p1 =	seq.s32 s10, $0x1;
	s10 =	sld [smem:$0x3FB2];
	_ =	sdelay $0x3  }
0x37: {  	[smem:$0x3FB2] =	sst s10  }
0x38: {  	s10 =	sld [smem:$0x3FB3]  }
0x39: {  	_ = 	snop;
	(pc) =	sbr.ind lr, $3  }
0x3a: {  	_ = 	snop  }
0x3b: {  	_ = 	snop  }
0x3c: {  	p2 =	seq.s32 s10, $0x1;
	s10 =	sld [smem:$0x3FB2]  }
0x3d: {  	_ =	shalt  }
0x3e: {  	_ =	shalt  }
0x3f: {  	_ =	shalt  }
0x40: {  	_ =	shalt  }
0x41: {  	_ =	shalt  }
0x42: {  	_ =	shalt  }
0x43: {  	_ =	shalt  }
0x44: {  	_ =	shalt  }
0x45: {  	_ =	shalt  }
0x46: {  	_ =	shalt  }
0x47: {  	_ =	shalt  }
0x48: {  	_ =	shalt  }
0x49: {  	_ =	shalt  }
0x4a: {  	_ =	shalt  }
0x4b: {  	_ =	shalt  }
0x4c: {  	_ =	shalt  }
0x4d: {  	_ =	shalt  }
0x4e: {  	_ =	shalt  }
0x4f: {  	_ =	shalt  }
0x50: {  	_ =	shalt  }
0x51: {  	_ =	shalt  }
0x52: {  	_ =	shalt  }
0x53: {  	_ =	shalt  }
0x54: {  	_ =	shalt  }
0x55: {  	_ =	shalt  }
0x56: {  	_ =	shalt  }
0x57: {  	_ =	shalt  }
0x58: {  	_ =	shalt  }
0x59: {  	_ =	shalt  }
0x5a: {  	_ =	shalt  }
0x5b: {  	_ =	shalt  }
0x5c: {  	_ =	shalt  }
0x5d: {  	_ =	shalt  }
0x5e: {  	_ =	shalt  }
0x5f: {  	_ =	shalt  }
0x60: {  	_ =	shalt  }
0x61: {  	_ =	shalt  }
0x62: {  	_ =	shalt  }
0x63: {  	_ =	shalt  }
0x64: {  	_ =	shalt  }
0x65: {  	_ =	shalt  }
0x66: {  	_ =	shalt  }
0x67: {  	_ =	shalt  }
0x68: {  	_ =	shalt  }
0x69: {  	_ =	shalt  }
0x6a: {  	_ =	shalt  }
0x6b: {  	_ =	shalt  }
0x6c: {  	_ =	shalt  }
0x6d: {  	_ =	shalt  }
0x6e: {  	_ =	shalt  }
0x6f: {  	_ =	shalt  }
0x70: {  	_ =	shalt  }
0x71: {  	_ =	shalt  }
0x72: {  	_ =	shalt  }
0x73: {  	_ =	shalt  }
0x74: {  	_ =	shalt  }
0x75: {  	_ =	shalt  }
0x76: {  	_ =	shalt  }
0x77: {  	_ =	shalt  }
0x78: {  	_ =	shalt  }
0x79: {  	_ =	shalt  }
0x7a: {  	_ =	shalt  }
0x7b: {  	_ =	shalt  }
0x7c: {  	_ =	shalt  }
0x7d: {  	_ =	shalt  }
0x7e: {  	_ =	shalt  }
0x7f: {  	_ =	shalt  }
0x80: {  	_ =	shalt  }
0x81: {  	_ =	shalt  }
0x82: {  	_ =	shalt  }
0x83: {  	_ =	shalt  }
0x84: {  	_ =	shalt  }
0x85: {  	_ =	shalt  }
0x86: {  	_ =	shalt  }
0x87: {  	_ =	shalt  }
.Lfunc_end0:
.L_simem_size_0:
called_computation.1_lowered:
.L_overlay_start_0:
0x88: {  	s2 =	sld [smem:$0x3FD9]  }
0x89: {  	s3 =	sld [smem:$0x3FFE];
	_ =	sdelay $0x1  }
0x8a: {  	s1 =	srdreg.scid  }
0x8b: {  	s0 =	sand.u32 $0x1, s1  }
0x8c: {  	s16 =	sshll.u32 s0, $0xA;
	s2 =	sadd.s32 s3, s2  }
0x8d: {  	s2 =	sadd.s32 s2, s16  }
0x8e: {  	[smem:$0x3FBE] =	sst s2  }
0x8f: {  	_ = 	snop  }
0x90: {  	(tm) =	ssettm $0x1  }
0x91: {  	s17 =	sld [smem:$0x3FFB];
	_ =	sdelay $0x3  }
0x92: {  	_ =	strace s17  }
0x93: {  	s2 =	sld [smem:$0x3FFC];
	_ =	sdelay $0x3  }
0x94: {  	_ =	strace s2  }
0x95: {  	s2 =	sld [smem:$0x3FFD];
	_ =	sdelay $0x3  }
0x96: {  	_ =	strace s2  }
0x97: {  	_ =	strace $0x8FFFFFFF  }
0x98: {  	s18 =	sld [smem:$0x3FDB];
	_ =	sdelay $0x1  }
0x99: {  	s19 =	simm.s32 $_scs_section_size  }
0x9a: {  	s4 =	simm.s32 $_size__tile_overlayer_lowered;
	s5 =	simm.s32 $_tile_overlayer_lowered  }
0x9b: {  	s22 =	simm.s32 $0x1BFF;
	s21 =	sshll.u32 s5, $0x1;
	s2 =	sadd.s32 s19, s18  }
0x9c: {  	s6 =	simm.s32 $0x0;
	s20 =	sshll.u32 s4, $0x1;
	s4 =	sadd.s32 s21, s2  }
0x9d: {  	[timem:s6], [sflag:s22] =	dma.local [hbm:s4], s20  }
0x9e: {  	_ =	swait.ge [sflag:s22], s20  }
0x9f: {  	s3 =	ssub.s32 $0x0, s20;
	[sflag:s22] =	ssyncset.done $0x0  }
0xa0: {  	[sflag:s22] =	ssyncadd.s32 s3;
	_ =	sdelay $0x1  }
0xa1: {  	s23 =	simm.s32 $0x1B8B  }
0xa2: {  	_ =	swait.ge [sflag:s23], $0x1  }
0xa3: {  	[sflag:s23] =	ssyncset.done $0x0  }
0xa4: {  	s25 =	simm.s32 $0x1B8E;
	s24 =	sld [smem:$0x3FFE];
	[sflag:s23] =	ssyncadd.s32 $0xFFFFFFFF  }
0xa5: {  	s26 =	simm.s32 $execute0_lowered;
	[smem:$0x3FD2] =	sst s25  }
0xa6: {  	s4 =	sshll.u32 s26, $0x1;
	_ =	strace $0x80000049;
	[dreg:$0x1] =	wrdreg $0xFFFFFFFF  }
0xa7: {  	s28 =	simm.s32 $_size_execute0_lowered;
	s2 =	sadd.s32 s2, s4;
	[dreg:$0x0] =	wrdreg $0x0  }
0xa8: {  	s4 =	sshll.u32 s28, $0x1;
	[dreg:$0x2] =	wrdreg s2  }
0xa9: {  	[dreg:$0x3] =	wrdreg s4  }
0xaa: {  	[dreg:$0x4] =	wrdreg $0xC0  }
0xab: {  	_ =	task [dreg:s6], $0x5FFFF  }
0xac: {  	[dreg:$0x1] =	wrdreg $0xFFFFFFFF  }
0xad: {  	[dreg:$0x0] =	wrdreg $0x60  }
0xae: {  	[dreg:$0x2] =	wrdreg s24  }
0xaf: {  	[dreg:$0x3] =	wrdreg $0xC4000  }
0xb0: {  	[dreg:$0x4] =	wrdreg $0x9  }
0xb1: {  	_ =	task.clear_ibuf [dreg:s6], $0x5FFFF;
	_ =	strace $0x90000049  }
0xb2: {  	s29 =	simm.s32 $0x9;
	_ =	strace $0x8000004B  }
0xb3: {  	_ =	swait.ge [sflag:s29], $0x1  }
0xb4: {  	[sflag:s29] =	ssyncadd.s32 $0xFFFFFFFF  }
0xb5: {  	_ =	strace $0x9000004B  }
0xb6: {  	_ =	sfence  }
0xb7: {  	s30 =	sld [smem:$0x0];
	_ =	sdelay $0x2  }
0xb8: {  	s31 =	sshll.u32 s1, $0xD;
	s1 =	sshrl.u32 s1, $0x2  }
0xb9: {  	s3 =	sand.u32 $0x4000, s31;
	s1 =	sadd.s32 s1, s30  }
0xba: {  	s0 =	sor.u32 s3, s0;
	s1 =	sshll.u32 s1, $0x11  }
0xbb: {  	s0 =	sor.u32 s1, s0  }
0xbc: {  	s0 =	sadd.s32 $0x8F2B, s0  }
0xbd: {  	[sflag:s0] =	ssyncadd.remote.s32 $0x1  }
0xbe: {  	_ =	sfence.sel $0xFFFF  }
0xbf: {  	[dreg:$0x0] =	wrdreg $0xFFFFFFFF;
	(pc) =	sbr.abs _section_cstart, $3  }
0xc0: {  	[dreg:$0x1] =	wrdreg $0xFFFFFFFF  }
0xc1: {  	_ =	task.clear_ibuf [dreg:s6], $0x2FFFF;
	_ =	strace $0x9FFFFFFF  }
0xc2: {  	(tm) =	ssettm $0x7FFFFFFF  }
0xc3: {  	_ =	shalt  }
tec
execute0_lowered:
.L_overlay_start_1:
0x0: {  	(tag) =	ssettag $0x1  }
0x1: {  	s0 =	rddreg [dreg:$0x0]  }
0x2: {  	s2 =	rddreg [dreg:$0x1];
	s1 =	srdreg.scid  }
0x3: {  	s10 =	stileid.u32;
	s3 =	simm.s32 $0x0;
	s28 =	simm.s32 $0x280  }
0x4: {  	s29 =	simm.s32 $0x100;
	s30 =	simm.s32 $0x300;
	s5 =	smul.u32 $0x278, s10  }
0x5: {  	s31 =	simm.s32 $0x5;
	s13 =	simm.s32 $0x2;
	s8 =	smul.u32 $0x4F80, s10  }
0x6: {  	s14 =	simm.s32 $0x3;
	s1 =	sand.u32 $0x1, s1;
	s9 =	smul.u32 $0x4F000, s10  }
0x7: {  	[smem:$0x7FF] =	sst s3;
	s4 =	sadd.s32 $0x47A00, s0;
	s20 =	smul.u32 $0x9F0, s10  }
0x8: {  	s11 =	sadd.s32 $0x29C00, s0;
	s17 =	sadd.s32 $0x138400, s2;
	s6 =	smul.u32 $0x2710, s1  }
0x9: {  	p0 =	seq.s32 s10, $0xF;
	s7 =	smul.u32 $0x4F800, s1;
	s1 =	ssub.s32 $0x2, s1  }
0xa: {  	_ =	strace $0x8000004A;
	[dreg:$0x7] =	wrdreg s17;
	s15 =	sshrl.u32 s1, $0x1  }
0xb: {  	s9 =	sshrl.u32 s9, $0x2;
	s6 =	sadd.s32 s5, s6;
	s5 =	sadd.s32 $0x33C00, s0  }
0xc: {  	s7 =	sadd.s32 s8, s7;
	s1 =	ssub.s32 s1, s15;
	s8 =	sshrl.u32 s8, $0x3  }
0xd: {  	s6 =	sshll.u32 s6, $0x4;
	s16 =	sshrl.u32 s7, $0x3;
	s8 =	sadd.s32 s11, s8  }
0xe: {  	s1 =	smax.u32 s1, $0x1;
	s22 =	sadd.s32 $0x280, s7;
	[dreg:$0x8] =	wrdreg s8  }
0xf: {  	s0 =	sadd.s32 s6, s0;
	s19 =	sadd.s32 $0x10, s8;
	[dreg:$0xd] =	wrdreg s1  }
0x10: {  	s6 =	sadd.s32 s9, s2;
	s9 =	sadd.s32 s5, s16;
	[dreg:$0xa] =	wrdreg s19  }
0x11: {  	s24 =	sadd.s32 $0x200, s7;
	s8 =	sadd.s32 $0x20, s8;
	[dreg:$0x6] =	wrdreg s9  }
0x12: {  	s1 =	sshrl.u32 s22, $0x3;
	s12 =	sadd.s32 $0x10000, s6;
	[dreg:$0xc] =	wrdreg s8  }
0x13: {  	s26 =	sshrl.u32 s24, $0x3;
	s18 =	sadd.s32 $0x10, s9;
	[dreg:$0x5] =	wrdreg s12  }
0x14: {  	s22 =	simm.s32 $0x400;
	s9 =	sadd.s32 $0x20, s9;
	[dreg:$0x9] =	wrdreg s18  }
0x15: {  	s24 =	simm.s32 $0x200;
	s21 =	sadd.s32 $0x4000, s6;
	[dreg:$0xb] =	wrdreg s9  }
0x16: {  	s16 =	simm.s32 $0x0;
	s23 =	sadd.s32 $0x8000, s6;
	[dreg:$0xe] =	wrdreg s21  }
0x17: {  	s15 =	sadd.s32 $0x95C00, s0;
	s8 =	sadd.s32 s20, s11;
	[dreg:$0xf] =	wrdreg s23  }
0x18: {  	s0 =	sadd.s32 $0x128400, s2;
	s25 =	sadd.s32 $0xC000, s6;
	[dreg:$0x3] =	wrdreg s8  }
0x19: {  	s1 =	sadd.s32 s1, s5;
	s20 =	sadd.s32 s26, s5;
	[dreg:$0x10] =	wrdreg s25  }
0x1a: {  	s26 =	simm.s32 $0x80;
	s11 =	simm.s32 $0x1;
	[dreg:$0x4] =	wrdreg s1  }
0x1b: {  	s18 =	sadd.s32 $0x180, s7;
	s23 =	simm.s32 $0x8;
	s0 =	sshrl.u32 @p0 s0, $0x3  }
0x1c: {  	s1 =	simm.s32 $0x4400;
	s7 =	simm.s32 $0x7;
	s9 =	simm.s32 $0x8400  }
0x1d: {  	v0 =	vimm.f32 $0.0e+00;
	s12 =	simm.s32 $0x4;
	[dreg:$0x11] =	wrdreg s0;
	s0 =	simm.s32 $0x6  }
.LBB2_1:
0x1e: {  	s8 =	simm.s32 $0x0;
	s17 =	simm.s32 $0x200  }
.LBB2_2:
0x1f: {  	p1 =	sne.s32 s17, $0xFE00;
	[tilespmem:s8+$0x470] =	vst v0  }
0x20: {  	[tilespmem:s8+$0x400] =	vst v0  }
0x21: {  	[tilespmem:s8+$0x410] =	vst v0  }
.Ltmp0:
0x22: {  	[tilespmem:s8+$0x420] =	vst v0;
	(pc) =	sbr.rel @p1 .LBB2_2-.Ltmp0, $4  }
0x23: {  	[tilespmem:s8+$0x430] =	vst v0  }
0x24: {  	[tilespmem:s8+$0x440] =	vst v0  }
0x25: {  	[tilespmem:s8+$0x450] =	vst v0  }
0x26: {  	[tilespmem:s8+$0x460] =	vst v0;
	s8 =	sshra.s32 s17, $0x2;
	s17 =	sadd.s32 $0x200, s17  }
0x27: {  	[tilespmem:s8+$0x470] =	vst v0  }
0x28: {  	[tilespmem:s8+$0x400] =	vst v0  }
0x29: {  	[tilespmem:s8+$0x410] =	vst v0  }
0x2a: {  	[tilespmem:s8+$0x420] =	vst v0  }
0x2b: {  	[tilespmem:s8+$0x430] =	vst v0  }
0x2c: {  	[tilespmem:s8+$0x440] =	vst v0  }
0x2d: {  	[tilespmem:s8+$0x450] =	vst v0  }
0x2e: {  	[tilespmem:s8+$0x460] =	vst v0  }
0x2f: {  	[spmem:s6] =	stream.linear.scatter [tilespmem:s22], [sflag:$0x8], $0x4000, $0x38;
	[tilespmem:$0x1FD00] =	vst v63  }
0x30: {  	_ =	swait.ge [sflag:s23], $0x4000  }
0x31: {  	[sflag:s23] =	ssyncset.done $0x0  }
0x32: {  	s25 =	rddreg [dreg:$0xe];
	[sflag:s23] =	ssyncadd.s32 $0xFFFFC000  }
0x33: {  	[spmem:s25] =	stream.linear.scatter [tilespmem:s22], [sflag:$0x8], $0x4000, $0x38;
	[tilespmem:$0x1FD00] =	vst v63  }
0x34: {  	_ =	swait.ge [sflag:s23], $0x4000  }
0x35: {  	[sflag:s23] =	ssyncset.done $0x0  }
0x36: {  	s10 =	rddreg [dreg:$0xf];
	[sflag:s23] =	ssyncadd.s32 $0xFFFFC000  }
0x37: {  	[spmem:s10] =	stream.linear.scatter [tilespmem:s22], [sflag:$0x8], $0x4000, $0x38;
	[tilespmem:$0x1FD00] =	vst v63  }
0x38: {  	_ =	swait.ge [sflag:s23], $0x4000  }
0x39: {  	[sflag:s23] =	ssyncset.done $0x0  }
0x3a: {  	s17 =	rddreg [dreg:$0x10];
	[sflag:s23] =	ssyncadd.s32 $0xFFFFC000  }
0x3b: {  	[spmem:s17] =	stream.linear.scatter [tilespmem:s22], [sflag:$0x8], $0x4000, $0x38;
	[tilespmem:$0x1FD00] =	vst v63  }
0x3c: {  	_ =	swait.ge [sflag:s23], $0x4000  }
0x3d: {  	[sflag:s23] =	ssyncset.done $0x0  }
0x3e: {  	s8 =	simm.s32 @p0 $0x400;
	s10 =	rddreg [dreg:$0x7];
	[sflag:s23] =	ssyncadd.s32 $0xFFFFC000  }
0x3f: {  	[spmem:s10] =	stream.linear.scatter @p0 [tilespmem:s8], [sflag:$0x8], $0xC00, $0x38;
	[tilespmem:$0x1FD00] =	vst v63  }
0x40: {  	s8 =	simm.s32 @p0 $0x8  }
0x41: {  	_ =	swait.ge @p0 [sflag:s8], $0xC00  }
0x42: {  	[sflag:s8] =	ssyncset.done @p0 $0x0  }
0x43: {  	s10 =	rddreg [dreg:$0x5];
	[sflag:s8] =	ssyncadd.s32 @p0 $0xFFFFF400;
	s8 =	simm.s32 @!p0 $0x400  }
0x44: {  	[spmem:s10] =	stream.linear.scatter @!p0 [tilespmem:s8], [sflag:$0x8], $0x3C00, $0x38;
	[tilespmem:$0x1FD00] =	vst v63  }
0x45: {  	s8 =	simm.s32 @!p0 $0x8  }
0x46: {  	_ =	swait.ge @!p0 [sflag:s8], $0x3C00  }
0x47: {  	[sflag:s8] =	ssyncset.done @!p0 $0x0  }
0x48: {  	[sflag:s8] =	ssyncadd.s32 @!p0 $0xFFFFC400  }
0x49: {  	[bflag:$0x0] =	sbarrier.arrive $0xFFFF  }
0x4a: {  	s8 =	simm.s32 $0x0;
	s19 =	rddreg [dreg:$0x6]  }
0x4b: {  	[tilespmem:s8], [sflag:$0x5] =	stream.linear.gather [hbm4b:s19+s8], $0x80, $0x38;
	[tilespmem:$0x1FD00] =	vst v63  }
0x4c: {  	s21 =	rddreg [dreg:$0x8]  }
0x4d: {  	[tilespmem:s24], [sflag:$0x5] =	stream.linear.gather [hbm4b:s21+s8], $0x80, $0x38;
	[tilespmem:$0x1FD00] =	vst v63  }
0x4e: {  	s25 =	rddreg [dreg:$0x9]  }
0x4f: {  	[tilespmem:s26], [sflag:$0x6] =	stream.linear.gather [hbm4b:s25+s8], $0x80, $0x38;
	[tilespmem:$0x1FD00] =	vst v63  }
0x50: {  	s17 =	rddreg [dreg:$0xa]  }
0x51: {  	[tilespmem:s28], [sflag:$0x6] =	stream.linear.gather [hbm4b:s17+s8], $0x80, $0x38;
	[tilespmem:$0x1FD00] =	vst v63  }
0x52: {  	s19 =	rddreg [dreg:$0xb]  }
0x53: {  	[tilespmem:s29], [sflag:$0x7] =	stream.linear.gather [hbm4b:s19+s8], $0x80, $0x38;
	[tilespmem:$0x1FD00] =	vst v63  }
0x54: {  	s21 =	rddreg [dreg:$0xc]  }
0x55: {  	[tilespmem:s30], [sflag:$0x7] =	stream.linear.gather [hbm4b:s21+s8], $0x80, $0x38;
	[tilespmem:$0x1FD00] =	vst v63  }
0x56: {  	_ =	swait.ge [sflag:s31], $0x80  }
0x57: {  	[sflag:s31] =	ssyncset.done $0x0  }
0x58: {  	[sflag:s31] =	ssyncadd.s32 $0xFFFFFF80  }
0x59: {  	_ =	swait.ge [sflag:s31], $0x80  }
0x5a: {  	[sflag:s31] =	ssyncset.done $0x0  }
0x5b: {  	[sflag:s31] =	ssyncadd.s32 $0xFFFFFF80  }
0x5c: {  	[tilespmem:s22], [sflag:$0x1] =	stream.indirect.gather [hbm4b:s4+s26], $0x80, s8, s26, $0xb8;
	[tilespmem:$0x1FD00] =	vst v63  }
0x5d: {  	_ =	swait.ge [sflag:s0], $0x80  }
0x5e: {  	[sflag:s0] =	ssyncset.done $0x0  }
0x5f: {  	[sflag:s0] =	ssyncadd.s32 $0xFFFFFF80  }
0x60: {  	_ =	swait.ge [sflag:s0], $0x80  }
0x61: {  	[sflag:s0] =	ssyncset.done $0x0  }
0x62: {  	[sflag:s0] =	ssyncadd.s32 $0xFFFFFF80  }
0x63: {  	[tilespmem:s1], [sflag:$0x2] =	stream.indirect.gather [hbm4b:s4+s26], $0x80, s26, s26, $0xb8;
	[tilespmem:$0x1FD00] =	vst v63  }
0x64: {  	_ =	swait.ge [sflag:s7], $0x80  }
0x65: {  	[sflag:s7] =	ssyncset.done $0x0  }
0x66: {  	[sflag:s7] =	ssyncadd.s32 $0xFFFFFF80  }
0x67: {  	_ =	swait.ge [sflag:s7], $0x80  }
0x68: {  	[sflag:s7] =	ssyncset.done $0x0  }
0x69: {  	[sflag:s7] =	ssyncadd.s32 $0xFFFFFF80  }
0x6a: {  	[tilespmem:s9], [sflag:$0x3] =	stream.indirect.gather [hbm4b:s4+s26], $0x80, s29, s26, $0xb8;
	[tilespmem:$0x1FD00] =	vst v63  }
0x6b: {  	_ =	swait.ge [sflag:s11], $0x4000  }
0x6c: {  	[sflag:s11] =	ssyncset.done $0x0  }
0x6d: {  	[sflag:s11] =	ssyncadd.s32 $0xFFFFC000  }
0x6e: {  	[spmem:s2] =	stream.indirect.scatter.add.f32 [tilespmem:s22], [sflag:$0x4], $0x80, s24, s26, $0xb8;
	[tilespmem:$0x1FD00] =	vst v63  }
0x6f: {  	_ =	swait.ge [sflag:s12], $0x4000  }
0x70: {  	s25 =	sshrl.u32 s18, $0x3;
	[sflag:s12] =	ssyncset.done $0x0;
	s17 =	rddreg [dreg:$0x3]  }
0x71: {  	s8 =	sadd.s32 s5, s25;
	[sflag:s12] =	ssyncadd.s32 $0xFFFFC000;
	s10 =	sadd.s32 $0x0, s17  }
0x72: {  	[tilespmem:s3], [sflag:$0x5] =	stream.linear.gather [hbm4b:s8+s3], $0x80, $0x38;
	[tilespmem:$0x1FD00] =	vst v63  }
0x73: {  	s17 =	sadd.s32 $0x30, s10  }
0x74: {  	[tilespmem:s24], [sflag:$0x5] =	stream.linear.gather [hbm4b:s17+s3], $0x80, $0x38;
	[tilespmem:$0x1FD00] =	vst v63  }
0x75: {  	_ =	swait.ge [sflag:s31], $0x80  }
0x76: {  	[sflag:s31] =	ssyncset.done $0x0  }
0x77: {  	[sflag:s31] =	ssyncadd.s32 $0xFFFFFF80  }
0x78: {  	_ =	swait.ge [sflag:s31], $0x80  }
0x79: {  	[sflag:s31] =	ssyncset.done $0x0  }
0x7a: {  	[sflag:s31] =	ssyncadd.s32 $0xFFFFFF80  }
0x7b: {  	[tilespmem:s22], [sflag:$0x1] =	stream.indirect.gather [hbm4b:s4+s26], $0x80, s3, s26, $0xb8;
	[tilespmem:$0x1FD00] =	vst v63  }
0x7c: {  	_ =	swait.ge [sflag:s13], $0x4000  }
0x7d: {  	[sflag:s13] =	ssyncset.done $0x0  }
0x7e: {  	[sflag:s13] =	ssyncadd.s32 $0xFFFFC000  }
0x7f: {  	[spmem:s2] =	stream.indirect.scatter.add.f32 [tilespmem:s1], [sflag:$0x4], $0x80, s28, s26, $0xb8;
	[tilespmem:$0x1FD00] =	vst v63  }
0x80: {  	_ =	swait.ge [sflag:s12], $0x4000  }
0x81: {  	[sflag:s12] =	ssyncset.done $0x0  }
0x82: {  	s19 =	sadd.s32 $0x0, s20;
	[sflag:s12] =	ssyncadd.s32 $0xFFFFC000  }
0x83: {  	[tilespmem:s26], [sflag:$0x6] =	stream.linear.gather [hbm4b:s19+s3], $0x80, $0x38;
	[tilespmem:$0x1FD00] =	vst v63  }
0x84: {  	s21 =	sadd.s32 $0x40, s10  }
0x85: {  	[tilespmem:s28], [sflag:$0x6] =	stream.linear.gather [hbm4b:s21+s3], $0x80, $0x38;
	[tilespmem:$0x1FD00] =	vst v63  }
0x86: {  	_ =	swait.ge [sflag:s0], $0x80  }
0x87: {  	[sflag:s0] =	ssyncset.done $0x0  }
0x88: {  	[sflag:s0] =	ssyncadd.s32 $0xFFFFFF80  }
0x89: {  	_ =	swait.ge [sflag:s0], $0x80  }
0x8a: {  	[sflag:s0] =	ssyncset.done $0x0  }
0x8b: {  	[sflag:s0] =	ssyncadd.s32 $0xFFFFFF80  }
0x8c: {  	[tilespmem:s1], [sflag:$0x2] =	stream.indirect.gather [hbm4b:s4+s26], $0x80, s26, s26, $0xb8;
	[tilespmem:$0x1FD00] =	vst v63  }
0x8d: {  	_ =	swait.ge [sflag:s14], $0x4000  }
0x8e: {  	[sflag:s14] =	ssyncset.done $0x0  }
0x8f: {  	[sflag:s14] =	ssyncadd.s32 $0xFFFFC000  }
0x90: {  	[spmem:s2] =	stream.indirect.scatter.add.f32 [tilespmem:s9], [sflag:$0x4], $0x80, s30, s26, $0xb8;
	[tilespmem:$0x1FD00] =	vst v63  }
0x91: {  	_ =	swait.ge [sflag:s12], $0x4000  }
0x92: {  	s25 =	rddreg [dreg:$0x4];
	[sflag:s12] =	ssyncset.done $0x0  }
0x93: {  	[sflag:s12] =	ssyncadd.s32 $0xFFFFC000;
	s17 =	sadd.s32 $0x0, s25  }
0x94: {  	[tilespmem:s29], [sflag:$0x7] =	stream.linear.gather [hbm4b:s17+s3], $0x80, $0x38;
	[tilespmem:$0x1FD00] =	vst v63  }
0x95: {  	s8 =	sadd.s32 $0x50, s10;
	s21 =	smov.u32 s18;
	s17 =	simm.s32 $0x30  }
.LBB2_4:
0x96: {  	[tilespmem:s30], [sflag:$0x7] =	stream.linear.gather [hbm4b:s8+s3], $0x80, $0x38;
	[tilespmem:$0x1FD00] =	vst v63  }
0x97: {  	_ =	swait.ge [sflag:s7], $0x80  }
0x98: {  	[sflag:s7] =	ssyncset.done $0x0  }
0x99: {  	[sflag:s7] =	ssyncadd.s32 $0xFFFFFF80  }
0x9a: {  	_ =	swait.ge [sflag:s7], $0x80  }
0x9b: {  	[sflag:s7] =	ssyncset.done $0x0  }
0x9c: {  	[sflag:s7] =	ssyncadd.s32 $0xFFFFFF80  }
0x9d: {  	[tilespmem:s9], [sflag:$0x3] =	stream.indirect.gather [hbm4b:s4+s26], $0x80, s29, s26, $0xb8;
	[tilespmem:$0x1FD00] =	vst v63  }
0x9e: {  	_ =	swait.ge [sflag:s11], $0x4000  }
0x9f: {  	[sflag:s11] =	ssyncset.done $0x0  }
0xa0: {  	[sflag:s11] =	ssyncadd.s32 $0xFFFFC000  }
0xa1: {  	[spmem:s2] =	stream.indirect.scatter.add.f32 [tilespmem:s22], [sflag:$0x4], $0x80, s24, s26, $0xb8;
	[tilespmem:$0x1FD00] =	vst v63  }
0xa2: {  	s21 =	sadd.s32 $0x180, s21;
	_ =	swait.ge [sflag:s12], $0x4000  }
0xa3: {  	s19 =	smov.u32 s17;
	s25 =	sshrl.u32 s21, $0x3;
	[sflag:s12] =	ssyncset.done $0x0  }
0xa4: {  	s8 =	sadd.s32 s5, s25;
	s10 =	rddreg [dreg:$0x3];
	[sflag:s12] =	ssyncadd.s32 $0xFFFFC000  }
0xa5: {  	[tilespmem:s3], [sflag:$0x5] =	stream.linear.gather [hbm4b:s8+s3], $0x80, $0x38;
	[tilespmem:$0x1FD00] =	vst v63  }
0xa6: {  	s8 =	sadd.s32 s19, s10  }
0xa7: {  	s10 =	sadd.s32 $0x30, s8  }
0xa8: {  	[tilespmem:s24], [sflag:$0x5] =	stream.linear.gather [hbm4b:s10+s3], $0x80, $0x38;
	[tilespmem:$0x1FD00] =	vst v63  }
0xa9: {  	_ =	swait.ge [sflag:s31], $0x80  }
0xaa: {  	[sflag:s31] =	ssyncset.done $0x0  }
0xab: {  	[sflag:s31] =	ssyncadd.s32 $0xFFFFFF80  }
0xac: {  	_ =	swait.ge [sflag:s31], $0x80  }
0xad: {  	[sflag:s31] =	ssyncset.done $0x0  }
0xae: {  	[sflag:s31] =	ssyncadd.s32 $0xFFFFFF80  }
0xaf: {  	[tilespmem:s22], [sflag:$0x1] =	stream.indirect.gather [hbm4b:s4+s26], $0x80, s3, s26, $0xb8;
	[tilespmem:$0x1FD00] =	vst v63  }
0xb0: {  	_ =	swait.ge [sflag:s13], $0x4000  }
0xb1: {  	[sflag:s13] =	ssyncset.done $0x0  }
0xb2: {  	[sflag:s13] =	ssyncadd.s32 $0xFFFFC000  }
0xb3: {  	[spmem:s2] =	stream.indirect.scatter.add.f32 [tilespmem:s1], [sflag:$0x4], $0x80, s28, s26, $0xb8;
	[tilespmem:$0x1FD00] =	vst v63  }
0xb4: {  	_ =	swait.ge [sflag:s12], $0x4000  }
0xb5: {  	[sflag:s12] =	ssyncset.done $0x0  }
0xb6: {  	s10 =	sadd.s32 s19, s20;
	[sflag:s12] =	ssyncadd.s32 $0xFFFFC000  }
0xb7: {  	[tilespmem:s26], [sflag:$0x6] =	stream.linear.gather [hbm4b:s10+s3], $0x80, $0x38;
	[tilespmem:$0x1FD00] =	vst v63  }
0xb8: {  	s25 =	sadd.s32 $0x40, s8  }
0xb9: {  	[tilespmem:s28], [sflag:$0x6] =	stream.linear.gather [hbm4b:s25+s3], $0x80, $0x38;
	[tilespmem:$0x1FD00] =	vst v63  }
0xba: {  	_ =	swait.ge [sflag:s0], $0x80  }
0xbb: {  	[sflag:s0] =	ssyncset.done $0x0  }
0xbc: {  	[sflag:s0] =	ssyncadd.s32 $0xFFFFFF80  }
0xbd: {  	_ =	swait.ge [sflag:s0], $0x80  }
0xbe: {  	[sflag:s0] =	ssyncset.done $0x0  }
0xbf: {  	[sflag:s0] =	ssyncadd.s32 $0xFFFFFF80  }
0xc0: {  	[tilespmem:s1], [sflag:$0x2] =	stream.indirect.gather [hbm4b:s4+s26], $0x80, s26, s26, $0xb8;
	[tilespmem:$0x1FD00] =	vst v63  }
0xc1: {  	_ =	swait.ge [sflag:s14], $0x4000  }
0xc2: {  	[sflag:s14] =	ssyncset.done $0x0  }
0xc3: {  	p1 =	sne.s32 s17, $0x990;
	[sflag:s14] =	ssyncadd.s32 $0xFFFFC000  }
0xc4: {  	[spmem:s2] =	stream.indirect.scatter.add.f32 [tilespmem:s9], [sflag:$0x4], $0x80, s30, s26, $0xb8;
	[tilespmem:$0x1FD00] =	vst v63  }
.Ltmp1:
0xc5: {  	_ = 	snop;
	(pc) =	sbr.rel @p1 .LBB2_4-.Ltmp1, $4  }
0xc6: {  	_ =	swait.ge [sflag:s12], $0x4000  }
0xc7: {  	s17 =	sadd.s32 $0x30, s17;
	s25 =	rddreg [dreg:$0x4];
	[sflag:s12] =	ssyncset.done $0x0  }
0xc8: {  	s8 =	sadd.s32 $0x50, s8;
	[sflag:s12] =	ssyncadd.s32 $0xFFFFC000;
	s10 =	sadd.s32 s19, s25  }
0xc9: {  	[tilespmem:s29], [sflag:$0x7] =	stream.linear.gather [hbm4b:s10+s3], $0x80, $0x38;
	[tilespmem:$0x1FD00] =	vst v63  }
0xca: {  	[tilespmem:s30], [sflag:$0x7] =	stream.linear.gather [hbm4b:s8+s3], $0x80, $0x38;
	[tilespmem:$0x1FD00] =	vst v63  }
0xcb: {  	_ =	swait.ge [sflag:s7], $0x80  }
0xcc: {  	[sflag:s7] =	ssyncset.done $0x0  }
0xcd: {  	[sflag:s7] =	ssyncadd.s32 $0xFFFFFF80  }
0xce: {  	_ =	swait.ge [sflag:s7], $0x80  }
0xcf: {  	[sflag:s7] =	ssyncset.done $0x0  }
0xd0: {  	[sflag:s7] =	ssyncadd.s32 $0xFFFFFF80  }
0xd1: {  	[tilespmem:s9], [sflag:$0x3] =	stream.indirect.gather [hbm4b:s4+s26], $0x80, s29, s26, $0xb8;
	[tilespmem:$0x1FD00] =	vst v63  }
0xd2: {  	_ =	swait.ge [sflag:s11], $0x4000  }
0xd3: {  	[sflag:s11] =	ssyncset.done $0x0  }
0xd4: {  	[sflag:s11] =	ssyncadd.s32 $0xFFFFC000  }
0xd5: {  	[spmem:s2] =	stream.indirect.scatter.add.f32 [tilespmem:s22], [sflag:$0x4], $0x80, s24, s26, $0xb8;
	[tilespmem:$0x1FD00] =	vst v63  }
0xd6: {  	_ =	swait.ge [sflag:s12], $0x4000  }
0xd7: {  	[sflag:s12] =	ssyncset.done $0x0  }
0xd8: {  	[sflag:s12] =	ssyncadd.s32 $0xFFFFC000  }
0xd9: {  	_ =	swait.ge [sflag:s13], $0x4000  }
0xda: {  	[sflag:s13] =	ssyncset.done $0x0  }
0xdb: {  	[sflag:s13] =	ssyncadd.s32 $0xFFFFC000  }
0xdc: {  	[spmem:s2] =	stream.indirect.scatter.add.f32 [tilespmem:s1], [sflag:$0x4], $0x80, s28, s26, $0xb8;
	[tilespmem:$0x1FD00] =	vst v63  }
0xdd: {  	_ =	swait.ge [sflag:s12], $0x4000  }
0xde: {  	[sflag:s12] =	ssyncset.done $0x0  }
0xdf: {  	[sflag:s12] =	ssyncadd.s32 $0xFFFFC000  }
0xe0: {  	_ =	swait.ge [sflag:s14], $0x4000  }
0xe1: {  	[sflag:s14] =	ssyncset.done $0x0  }
0xe2: {  	[sflag:s14] =	ssyncadd.s32 $0xFFFFC000  }
0xe3: {  	[spmem:s2] =	stream.indirect.scatter.add.f32 [tilespmem:s9], [sflag:$0x4], $0x80, s30, s26, $0xb8;
	[tilespmem:$0x1FD00] =	vst v63  }
0xe4: {  	_ =	swait.ge [sflag:s12], $0x4000  }
0xe5: {  	[sflag:s12] =	ssyncset.done $0x0  }
0xe6: {  	[sflag:s12] =	ssyncadd.s32 $0xFFFFC000  }
0xe7: {  	[bflag:$0x0] =	sbarrier.arrive $0xFFFF  }
0xe8: {  	s8 =	simm.s32 @p0 $0x1FC8;
	s10 =	rddreg [dreg:$0x11]  }
0xe9: {  	[hbm:s15], [sflag:s8] =	dma.local @p0 [spmem:s10], $0x2080  }
0xea: {  	s8 =	simm.s32 @p0 $0x8  }
0xeb: {  	s10 =	stileid.u32;
	_ =	swait.ge @p0 [sflag:s8], $0x2080  }
0xec: {  	s10 =	sshll.u32 @!p0 s10, $0x6;
	[sflag:s8] =	ssyncset.done @p0 $0x0  }
0xed: {  	[sflag:s8] =	ssyncadd.s32 @p0 $0xFFFFDF80;
	s8 =	sor.u32 @!p0 $0x1C08, s10;
	s10 =	sshrl.u32 @!p0 s6, $0x3  }
0xee: {  	[hbm:s15], [sflag:s8] =	dma.local @!p0 [spmem:s10], $0x2780  }
0xef: {  	s8 =	simm.s32 @!p0 $0x8  }
0xf0: {  	_ =	swait.ge @!p0 [sflag:s8], $0x2780  }
0xf1: {  	s16 =	sadd.s32 $0x1, s16;
	s25 =	rddreg [dreg:$0xd]  }
0xf2: {  	p1 =	sne.s32 s16, s25  }
.Ltmp2:
0xf3: {  	_ = 	snop;
	(pc) =	sbr.rel @p1 .LBB2_1-.Ltmp2, $3  }
0xf4: {  	_ =	sdelay $0x1  }
0xf5: {  	[sflag:s8] =	ssyncset.done @!p0 $0x0  }
0xf6: {  	[sflag:s8] =	ssyncadd.s32 @!p0 $0xFFFFD880  }
0xf7: {  	_ =	sfence.sel $0x180000  }
0xf8: {  	[bflag:$0x0] =	sbarrier.arrive $0xFFFF  }
0xf9: {  	_ =	strace $0x9000004A  }
0xfa: {  	s0 =	stileid.u32;
	[bflag:$0x2] =	sbarrier.arrive $0xFFFF  }
0xfb: {  	p0 =	sne.s32 s0, $0x0;
	s0 =	rddreg [dreg:$0x2]  }
0xfc: {  	s0 =	sadd.s32 @!p0 $0x100000, s0  }
0xfd: {  	[sflag:s0] =	ssyncadd.tile.s32 @!p0 $0x1;
	_ =	shalt  }
.Lfunc_end2:
_tile_overlayer_lowered:
.L_overlay_start_2:
0xfe: {  	(tag) =	ssettag $0x2  }
0xff: {  	s0 =	rddreg [dreg:$0x0];
	s2 =	stileid.u32  }
0x100: {  	s1 =	rddreg [dreg:$0x1];
	p0 =	sne.s32 s2, $0x0  }
0x101: {  	s3 =	rddreg [dreg:$0x2];
	[bflag:$0x3] =	sbarrier.arrive $0xFFFF;
	s2 =	simm.s32 @!p0 $0x1C08  }
0x102: {  	[timem:s3], [sflag:s2] =	dma.local @!p0 [hbm:s0], s1  }
0x103: {  	s0 =	simm.s32 @!p0 $0x8  }
0x104: {  	_ =	swait.ge @!p0 [sflag:s0], s1  }
0x105: {  	s1 =	ssub.s32 @!p0 $0x0, s1;
	[sflag:s0] =	ssyncset.done @!p0 $0x0  }
0x106: {  	[sflag:s0] =	ssyncadd.s32 @!p0 s1  }
0x107: {  	[bflag:$0x3] =	sbarrier.arrive $0xFFFF  }
0x108: {  	_ =	shalt  }

</sc_bundles>
